<compile_context>
chip_gen: v7x
topology: tpu7x:2x2x1
jax: 0.10.2.dev20260603
libtpu: 0.0.44.dev20260713+nightly
codegen_flags: <defaults>
</compile_context>

<pallas_src>
import jax
import jax.numpy as jnp
from jax.experimental import pallas as pl

_N = 50000
_B = 2000
_D = 64
_NB = 1000


def _onehot(bidx_block):
    iota = jax.lax.broadcasted_iota(jnp.int32, (bidx_block.shape[0], _B), 1)
    return (bidx_block == iota).astype(jnp.float32)


def _segsum_kernel(emb_ref, bidx_ref, m_ref):
    step = pl.program_id(0)

    @pl.when(step == 0)
    def _():
        m_ref[...] = jnp.zeros_like(m_ref)

    oh = _onehot(bidx_ref[...])
    m_ref[...] += jax.lax.dot_general(
        oh, emb_ref[...], (((0,), (0,)), ((), ())),
        preferred_element_type=jnp.float32)


def _segsum(emb, bidx2d):
    return pl.pallas_call(
        _segsum_kernel,
        grid=(_N // _NB,),
        in_specs=[
            pl.BlockSpec((_NB, _D), lambda i: (i, 0)),
            pl.BlockSpec((_NB, 1), lambda i: (i, 0)),
        ],
        out_specs=pl.BlockSpec((_B, _D), lambda i: (0, 0)),
        out_shape=jax.ShapeDtypeStruct((_B, _D), jnp.float32),
    )(emb, bidx2d)


def _layer_kernel(emb_ref, bidx_ref, m_ref, blen_ref, wt_ref, b_ref, out_ref):
    emb = emb_ref[...]
    oh = _onehot(bidx_ref[...])
    m_g = jnp.dot(oh, m_ref[...], preferred_element_type=jnp.float32)
    denom = jnp.dot(oh, blen_ref[...], preferred_element_type=jnp.float32)
    mx = (m_g - emb) / (denom - 0.99999)
    wt = wt_ref[...]
    h = (jnp.dot(emb, wt[:_D], preferred_element_type=jnp.float32)
         + jnp.dot(mx, wt[_D:], preferred_element_type=jnp.float32)
         + b_ref[...])
    out_ref[...] = jnp.maximum(h, 0.0)


def _layer(emb, bidx2d, m, blen2d, wt, b2d):
    return pl.pallas_call(
        _layer_kernel,
        grid=(_N // _NB,),
        in_specs=[
            pl.BlockSpec((_NB, _D), lambda i: (i, 0)),
            pl.BlockSpec((_NB, 1), lambda i: (i, 0)),
            pl.BlockSpec((_B, _D), lambda i: (0, 0)),
            pl.BlockSpec((_B, 1), lambda i: (0, 0)),
            pl.BlockSpec((2 * _D, _D), lambda i: (0, 0)),
            pl.BlockSpec((1, _D), lambda i: (0, 0)),
        ],
        out_specs=pl.BlockSpec((_NB, _D), lambda i: (i, 0)),
        out_shape=jax.ShapeDtypeStruct((_N, _D), jnp.float32),
    )(emb, bidx2d, m, blen2d, wt, b2d)


def _head_kernel(m_ref, wht_ref, bh_ref, out_ref):
    out_ref[...] = (jnp.dot(m_ref[...], wht_ref[...],
                            preferred_element_type=jnp.float32)
                    + bh_ref[...])


def _head(m, wht, bh2d):
    return pl.pallas_call(
        _head_kernel,
        in_specs=[
            pl.BlockSpec((_B, _D), lambda: (0, 0)),
            pl.BlockSpec((_D, 1), lambda: (0, 0)),
            pl.BlockSpec((1, 1), lambda: (0, 0)),
        ],
        out_specs=pl.BlockSpec((_B, 1), lambda: (0, 0)),
        out_shape=jax.ShapeDtypeStruct((_B, 1), jnp.float32),
    )(m, wht, bh2d)


def kernel(x, item_starts, batch_idx, batch_len, emb_table, W0, b0, W1, b1, Wh, bh):
    t = x.shape[0]
    starts_ext = jnp.append(item_starts, t)
    counts = (starts_ext[1:] - starts_ext[:-1]).astype(jnp.float32)
    emb_rows = jnp.take(emb_table, x, axis=0)
    csum = jnp.concatenate(
        [jnp.zeros((1, _D), jnp.float32),
         jnp.cumsum(emb_rows, axis=0, dtype=jnp.float32)], axis=0)
    sums = jnp.take(csum, starts_ext[1:], axis=0) - jnp.take(
        csum, starts_ext[:-1], axis=0)
    emb = jnp.where(counts[:, None] > 0,
                    sums / jnp.maximum(counts, 1.0)[:, None], 0.0)

    bidx2d = batch_idx.astype(jnp.int32).reshape(_N, 1)
    blen2d = batch_len.reshape(_B, 1)
    for (W, b) in ((W0, b0), (W1, b1)):
        m = _segsum(emb, bidx2d)
        emb = _layer(emb, bidx2d, m, blen2d, W.T, b.reshape(1, _D))
    m = _segsum(emb, bidx2d)
    return _head(m, Wh.T, bh.reshape(1, 1))

# --- scband reference (transcript-rebuilt; emitter-appended) ---
"""Pipeline reference for scband-commnet-36601711296950 (READ-ONLY COPY).

The authoritative reference and input builder live on the scoring server;
editing this copy changes nothing except your own understanding.
"""

import jax, jax.numpy as jnp
import numpy as np

N = 50000   # agents
B = 2000    # games
T = 1000000 # total flat tokens
V = 100000  # nwords
D = 64
NLAYERS = 3


def embedding_bag_mean(table, x, offsets):
    # nn.EmbeddingBag(mode='mean') with 1D input + offsets
    t = x.shape[0]
    n = offsets.shape[0]
    bag_id = jnp.searchsorted(offsets, jnp.arange(t), side='right') - 1
    bag_id = jnp.clip(bag_id, 0, n - 1)
    emb = jnp.take(table, x, axis=0)
    sums = jax.ops.segment_sum(emb, bag_id, num_segments=n)
    counts = jax.ops.segment_sum(jnp.ones((t,), emb.dtype), bag_id, num_segments=n)
    return jnp.where(counts[:, None] > 0, sums / jnp.maximum(counts, 1.0)[:, None], 0.0)


def setup_inputs(seed: int = 0) -> dict:
    key = jax.random.key(seed)
    ks = jax.random.split(key, 10)
    x = jax.random.randint(ks[0], (T,), 0, V)
    item_starts = jnp.sort(jax.random.randint(ks[1], (N,), 0, T))
    item_starts = item_starts.at[0].set(0)  # EmbeddingBag requires offsets[0] == 0
    batch_idx = jnp.sort(jax.random.randint(ks[2], (N,), 0, B))
    batch_len = jnp.bincount(batch_idx, length=B).astype(jnp.float32)
    emb_table = jax.random.normal(ks[3], (V, D), dtype=jnp.float32) * 0.05
    W0 = jax.random.normal(ks[4], (D, 2 * D), dtype=jnp.float32) * (1.0 / np.sqrt(2 * D))
    b0 = jnp.zeros((D,), jnp.float32)
    W1 = jax.random.normal(ks[5], (D, 2 * D), dtype=jnp.float32) * (1.0 / np.sqrt(2 * D))
    b1 = jnp.zeros((D,), jnp.float32)
    Wh = jax.random.normal(ks[6], (1, D), dtype=jnp.float32) * (1.0 / np.sqrt(D))
    bh = jnp.zeros((1,), jnp.float32)
    return {"x": x, "item_starts": item_starts, "batch_idx": batch_idx, "batch_len": batch_len,
            "emb_table": emb_table, "W0": W0, "b0": b0, "W1": W1, "b1": b1, "Wh": Wh, "bh": bh}


def reference(x, item_starts, batch_idx, batch_len, emb_table, W0, b0, W1, b1, Wh, bh):
    emb = embedding_bag_mean(emb_table, x, item_starts)  # [N, 64]
    affines = [(W0, b0), (W1, b1)]  # only nlayers-1 affines are used by the module
    for i in range(NLAYERS):
        m = jax.ops.segment_sum(emb, batch_idx, num_segments=B)  # zeros(B,64).index_add_(0, batch_idx, emb)
        if i == NLAYERS - 1:
            emb = m
        else:
            Mx = jnp.take(m, batch_idx, axis=0) - emb
            Mx = Mx / (jnp.take(batch_len, batch_idx)[:, None] - 0.99999)
            emb = jnp.concatenate([emb, Mx], axis=1)
            W, b = affines[i]
            emb = jax.nn.relu(emb @ W.T + b)
    # value head: Linear(64, 1) on [B, 64]
    return emb @ Wh.T + bh

if __name__ == "__main__":
    import jax
    _d = setup_inputs()
    print(jax.jit(kernel)(*tuple(_d.values())))

</pallas_src>

<mosaic_0001>
module attributes {stable_mosaic.version = 14 : i64} {
  func.func @_segsum_kernel(%arg0: i32, %arg1: memref<1000x64xf32, #tpu.memory_space<vmem>>, %arg2: memref<1000x1xi32, #tpu.memory_space<vmem>>, %arg3: memref<2000x64xf32, #tpu.memory_space<vmem>>) attributes {dimension_semantics = [#tpu.dimension_semantics<arbitrary>], iteration_bounds = array<i64: 50>, scalar_prefetch = 0 : i64, scratch_operands = 0 : i64, tpu.core_type = #tpu.core_type<tc>, window_params = [{transform_indices = @transform_0, window_bounds = array<i64: 1000, 64>}, {transform_indices = @transform_1, window_bounds = array<i64: 1000, 1>}, {pipeline_mode = #tpu.pipeline_mode<synchronous>, transform_indices = @transform_2, window_bounds = array<i64: 2000, 64>}]} {
    %eq3A = arith.constant 0 : i32
    %eq3A_0 = arith.cmpi eq, %arg0, %eq3A : i32
    %convert_element_type3A = arith.extui %eq3A_0 : i1 to i32
    %cond3A = arith.constant 0 : i32
    %cond3A_1 = arith.cmpi ne, %convert_element_type3A, %cond3A : i32
    scf.if %cond3A_1 {
      %broadcast_in_dim3A = arith.constant 0.000000e+00 : f32
      %broadcast_in_dim3A_17 = vector.broadcast %broadcast_in_dim3A : f32 to vector<2000x64xf32>
      %swap3A_18 = arith.constant 0 : index
      %swap3A_19 = arith.constant 0 : index
      %swap3A_20 = vector.load %arg3[%swap3A_18, %swap3A_19] : memref<2000x64xf32, #tpu.memory_space<vmem>>, vector<2000x64xf32>
      tpu.vector_store %arg3[%swap3A_18, %swap3A_19], %broadcast_in_dim3A_17 {strides = array<i32>} : memref<2000x64xf32, #tpu.memory_space<vmem>>, vector<2000x64xf32>,
    } else {
    }
    %get3A = arith.constant 0 : index
    %get3A_2 = arith.constant 0 : index
    %get3A_3 = vector.load %arg2[%get3A, %get3A_2] : memref<1000x1xi32, #tpu.memory_space<vmem>>, vector<1000x1xi32>
    %iota3A = tpu.iota {dimensions = array<i32: 1>} : vector<1000x2000xi32>
    %eq3A_4 = vector.broadcast %get3A_3 : vector<1000x1xi32> to vector<1000x2000xi32>
    %eq3A_5 = arith.cmpi eq, %eq3A_4, %iota3A : vector<1000x2000xi32>
    %convert_element_type3A_6 = arith.extui %eq3A_5 : vector<1000x2000xi1> to vector<1000x2000xi32>
    %convert_element_type3A_7 = arith.sitofp %convert_element_type3A_6 : vector<1000x2000xi32> to vector<1000x2000xf32>
    %get3A_8 = arith.constant 0 : index
    %get3A_9 = arith.constant 0 : index
    %get3A_10 = vector.load %arg3[%get3A_8, %get3A_9] : memref<2000x64xf32, #tpu.memory_space<vmem>>, vector<2000x64xf32>
    %get3A_11 = arith.constant 0 : index
    %get3A_12 = arith.constant 0 : index
    %get3A_13 = vector.load %arg1[%get3A_11, %get3A_12] : memref<1000x64xf32, #tpu.memory_space<vmem>>, vector<1000x64xf32>
    %dot_general3A = arith.constant dense<0.000000e+00> : vector<2000x64xf32>
    %dot_general3A_14 = tpu.matmul %convert_element_type3A_7, %get3A_13, %dot_general3A {dimension_numbers = #tpu.dot_dimension_numbers<[0], [0], [1], [1], [0, 1, 1, 1], [], []>, transpose_lhs_hint = false} : vector<1000x2000xf32>, vector<1000x64xf32>, vector<2000x64xf32> -> vector<2000x64xf32>
    %add3A = arith.addf %get3A_10, %dot_general3A_14 : vector<2000x64xf32>
    %swap3A = arith.constant 0 : index
    %swap3A_15 = arith.constant 0 : index
    %swap3A_16 = vector.load %arg3[%swap3A, %swap3A_15] : memref<2000x64xf32, #tpu.memory_space<vmem>>, vector<2000x64xf32>
    tpu.vector_store %arg3[%swap3A, %swap3A_15], %add3A {strides = array<i32>} : memref<2000x64xf32, #tpu.memory_space<vmem>>, vector<2000x64xf32>,
    return
  }
  func.func @transform_0(%arg0: i32) -> (i32, i32) {
    %c0_i32 = arith.constant 0 : i32
    %c0_i32_0 = arith.constant 0 : i32
    return %arg0, %c0_i32 : i32, i32
  }
  func.func @transform_1(%arg0: i32) -> (i32, i32) {
    %c0_i32 = arith.constant 0 : i32
    %c0_i32_0 = arith.constant 0 : i32
    return %arg0, %c0_i32 : i32, i32
  }
  func.func @transform_2(%arg0: i32) -> (i32, i32) {
    %c0_i32 = arith.constant 0 : i32
    %c0_i32_0 = arith.constant 0 : i32
    %c0_i32_1 = arith.constant 0 : i32
    return %c0_i32, %c0_i32_0 : i32, i32
  }
}

module attributes {stable_mosaic.version = 14 : i64} {
  func.func @_layer_kernel(%arg0: i32, %arg1: memref<1000x64xf32, #tpu.memory_space<vmem>>, %arg2: memref<1000x1xi32, #tpu.memory_space<vmem>>, %arg3: memref<2000x64xf32, #tpu.memory_space<vmem>>, %arg4: memref<2000x1xf32, #tpu.memory_space<vmem>>, %arg5: memref<128x64xf32, #tpu.memory_space<vmem>>, %arg6: memref<1x64xf32, #tpu.memory_space<vmem>>, %arg7: memref<1000x64xf32, #tpu.memory_space<vmem>>) attributes {dimension_semantics = [#tpu.dimension_semantics<arbitrary>], iteration_bounds = array<i64: 50>, scalar_prefetch = 0 : i64, scratch_operands = 0 : i64, tpu.core_type = #tpu.core_type<tc>, window_params = [{transform_indices = @transform_0, window_bounds = array<i64: 1000, 64>}, {transform_indices = @transform_1, window_bounds = array<i64: 1000, 1>}, {pipeline_mode = #tpu.pipeline_mode<synchronous>, transform_indices = @transform_2, window_bounds = array<i64: 2000, 64>}, {pipeline_mode = #tpu.pipeline_mode<synchronous>, transform_indices = @transform_3, window_bounds = array<i64: 2000, 1>}, {pipeline_mode = #tpu.pipeline_mode<synchronous>, transform_indices = @transform_4, window_bounds = array<i64: 128, 64>}, {pipeline_mode = #tpu.pipeline_mode<synchronous>, transform_indices = @transform_5, window_bounds = array<i64: 1, 64>}, {transform_indices = @transform_6, window_bounds = array<i64: 1000, 64>}]} {
    %get3A = arith.constant 0 : index
    %get3A_0 = arith.constant 0 : index
    %get3A_1 = vector.load %arg1[%get3A, %get3A_0] : memref<1000x64xf32, #tpu.memory_space<vmem>>, vector<1000x64xf32>
    %get3A_2 = arith.constant 0 : index
    %get3A_3 = arith.constant 0 : index
    %get3A_4 = vector.load %arg2[%get3A_2, %get3A_3] : memref<1000x1xi32, #tpu.memory_space<vmem>>, vector<1000x1xi32>
    %iota3A = tpu.iota {dimensions = array<i32: 1>} : vector<1000x2000xi32>
    %eq3A = vector.broadcast %get3A_4 : vector<1000x1xi32> to vector<1000x2000xi32>
    %eq3A_5 = arith.cmpi eq, %eq3A, %iota3A : vector<1000x2000xi32>
    %convert_element_type3A = arith.extui %eq3A_5 : vector<1000x2000xi1> to vector<1000x2000xi32>
    %convert_element_type3A_6 = arith.sitofp %convert_element_type3A : vector<1000x2000xi32> to vector<1000x2000xf32>
    %get3A_7 = arith.constant 0 : index
    %get3A_8 = arith.constant 0 : index
    %get3A_9 = vector.load %arg3[%get3A_7, %get3A_8] : memref<2000x64xf32, #tpu.memory_space<vmem>>, vector<2000x64xf32>
    %dot_general3A = arith.constant dense<0.000000e+00> : vector<1000x64xf32>
    %dot_general3A_10 = tpu.matmul %convert_element_type3A_6, %get3A_9, %dot_general3A {dimension_numbers = #tpu.dot_dimension_numbers<[1], [0], [0], [1], [0, 0, 1, 1], [], []>, transpose_lhs_hint = false} : vector<1000x2000xf32>, vector<2000x64xf32>, vector<1000x64xf32> -> vector<1000x64xf32>
    %get3A_11 = arith.constant 0 : index
    %get3A_12 = arith.constant 0 : index
    %get3A_13 = vector.load %arg4[%get3A_11, %get3A_12] : memref<2000x1xf32, #tpu.memory_space<vmem>>, vector<2000x1xf32>
    %dot_general3A_14 = arith.constant dense<0.000000e+00> : vector<1000x1xf32>
    %dot_general3A_15 = tpu.matmul %convert_element_type3A_6, %get3A_13, %dot_general3A_14 {dimension_numbers = #tpu.dot_dimension_numbers<[1], [0], [0], [1], [0, 0, 1, 1], [], []>, transpose_lhs_hint = false} : vector<1000x2000xf32>, vector<2000x1xf32>, vector<1000x1xf32> -> vector<1000x1xf32>
    %sub3A = arith.subf %dot_general3A_10, %get3A_1 : vector<1000x64xf32>
    %sub3A_16 = arith.constant 0.999989986 : f32
    %sub3A_17 = vector.broadcast %sub3A_16 : f32 to vector<1000x1xf32>
    %sub3A_18 = arith.subf %dot_general3A_15, %sub3A_17 : vector<1000x1xf32>
    %div3A = vector.broadcast %sub3A_18 : vector<1000x1xf32> to vector<1000x64xf32>
    %div3A_19 = arith.divf %sub3A, %div3A : vector<1000x64xf32>
    %get3A_20 = arith.constant 0 : index
    %get3A_21 = arith.constant 0 : index
    %get3A_22 = vector.load %arg5[%get3A_20, %get3A_21] : memref<128x64xf32, #tpu.memory_space<vmem>>, vector<128x64xf32>
    %slice3A = vector.extract_strided_slice %get3A_22 {offsets = [0, 0], sizes = [64, 64], strides = [1, 1]} : vector<128x64xf32> to vector<64x64xf32>
    %dot_general3A_23 = arith.constant dense<0.000000e+00> : vector<1000x64xf32>
    %dot_general3A_24 = tpu.matmul %get3A_1, %slice3A, %dot_general3A_23 {dimension_numbers = #tpu.dot_dimension_numbers<[1], [0], [0], [1], [0, 0, 1, 1], [], []>, transpose_lhs_hint = false} : vector<1000x64xf32>, vector<64x64xf32>, vector<1000x64xf32> -> vector<1000x64xf32>
    %slice3A_25 = vector.extract_strided_slice %get3A_22 {offsets = [64, 0], sizes = [64, 64], strides = [1, 1]} : vector<128x64xf32> to vector<64x64xf32>
    %dot_general3A_26 = arith.constant dense<0.000000e+00> : vector<1000x64xf32>
    %dot_general3A_27 = tpu.matmul %div3A_19, %slice3A_25, %dot_general3A_26 {dimension_numbers = #tpu.dot_dimension_numbers<[1], [0], [0], [1], [0, 0, 1, 1], [], []>, transpose_lhs_hint = false} : vector<1000x64xf32>, vector<64x64xf32>, vector<1000x64xf32> -> vector<1000x64xf32>
    %add3A = arith.addf %dot_general3A_24, %dot_general3A_27 : vector<1000x64xf32>
    %get3A_28 = arith.constant 0 : index
    %get3A_29 = arith.constant 0 : index
    %get3A_30 = vector.load %arg6[%get3A_28, %get3A_29] : memref<1x64xf32, #tpu.memory_space<vmem>>, vector<1x64xf32>
    %add3A_31 = vector.broadcast %get3A_30 : vector<1x64xf32> to vector<1000x64xf32>
    %add3A_32 = arith.addf %add3A, %add3A_31 : vector<1000x64xf32>
    %max3A = arith.constant 0.000000e+00 : f32
    %max3A_33 = vector.broadcast %max3A : f32 to vector<1000x64xf32>
    %max3A_34 = arith.maximumf %add3A_32, %max3A_33 : vector<1000x64xf32>
    %swap3A = arith.constant 0 : index
    %swap3A_35 = arith.constant 0 : index
    %swap3A_36 = vector.load %arg7[%swap3A, %swap3A_35] : memref<1000x64xf32, #tpu.memory_space<vmem>>, vector<1000x64xf32>
    tpu.vector_store %arg7[%swap3A, %swap3A_35], %max3A_34 {strides = array<i32>} : memref<1000x64xf32, #tpu.memory_space<vmem>>, vector<1000x64xf32>,
    return
  }
  func.func @transform_0(%arg0: i32) -> (i32, i32) {
    %c0_i32 = arith.constant 0 : i32
    %c0_i32_0 = arith.constant 0 : i32
    return %arg0, %c0_i32 : i32, i32
  }
  func.func @transform_1(%arg0: i32) -> (i32, i32) {
    %c0_i32 = arith.constant 0 : i32
    %c0_i32_0 = arith.constant 0 : i32
    return %arg0, %c0_i32 : i32, i32
  }
  func.func @transform_2(%arg0: i32) -> (i32, i32) {
    %c0_i32 = arith.constant 0 : i32
    %c0_i32_0 = arith.constant 0 : i32
    %c0_i32_1 = arith.constant 0 : i32
    return %c0_i32, %c0_i32_0 : i32, i32
  }
  func.func @transform_3(%arg0: i32) -> (i32, i32) {
    %c0_i32 = arith.constant 0 : i32
    %c0_i32_0 = arith.constant 0 : i32
    %c0_i32_1 = arith.constant 0 : i32
    return %c0_i32, %c0_i32_0 : i32, i32
  }
  func.func @transform_4(%arg0: i32) -> (i32, i32) {
    %c0_i32 = arith.constant 0 : i32
    %c0_i32_0 = arith.constant 0 : i32
    %c0_i32_1 = arith.constant 0 : i32
    return %c0_i32, %c0_i32_0 : i32, i32
  }
  func.func @transform_5(%arg0: i32) -> (i32, i32) {
    %c0_i32 = arith.constant 0 : i32
    %c0_i32_0 = arith.constant 0 : i32
    %c0_i32_1 = arith.constant 0 : i32
    return %c0_i32, %c0_i32_0 : i32, i32
  }
  func.func @transform_6(%arg0: i32) -> (i32, i32) {
    %c0_i32 = arith.constant 0 : i32
    %c0_i32_0 = arith.constant 0 : i32
    return %arg0, %c0_i32 : i32, i32
  }
}

module attributes {stable_mosaic.version = 14 : i64} {
  func.func @_head_kernel(%arg0: memref<2000x64xf32, #tpu.memory_space<vmem>>, %arg1: memref<64x1xf32, #tpu.memory_space<vmem>>, %arg2: memref<1x1xf32, #tpu.memory_space<vmem>>, %arg3: memref<2000x1xf32, #tpu.memory_space<vmem>>) attributes {dimension_semantics = [], scalar_prefetch = 0 : i64, scratch_operands = 0 : i64, tpu.core_type = #tpu.core_type<tc>} {
    %get3A = arith.constant 0 : index
    %get3A_0 = arith.constant 0 : index
    %get3A_1 = vector.load %arg0[%get3A, %get3A_0] : memref<2000x64xf32, #tpu.memory_space<vmem>>, vector<2000x64xf32>
    %get3A_2 = arith.constant 0 : index
    %get3A_3 = arith.constant 0 : index
    %get3A_4 = vector.load %arg1[%get3A_2, %get3A_3] : memref<64x1xf32, #tpu.memory_space<vmem>>, vector<64x1xf32>
    %dot_general3A = arith.constant dense<0.000000e+00> : vector<2000x1xf32>
    %dot_general3A_5 = tpu.matmul %get3A_1, %get3A_4, %dot_general3A {dimension_numbers = #tpu.dot_dimension_numbers<[1], [0], [0], [1], [0, 0, 1, 1], [], []>, transpose_lhs_hint = false} : vector<2000x64xf32>, vector<64x1xf32>, vector<2000x1xf32> -> vector<2000x1xf32>
    %get3A_6 = arith.constant 0 : index
    %get3A_7 = arith.constant 0 : index
    %get3A_8 = vector.load %arg2[%get3A_6, %get3A_7] : memref<1x1xf32, #tpu.memory_space<vmem>>, vector<1x1xf32>
    %add3A = vector.broadcast %get3A_8 : vector<1x1xf32> to vector<2000x1xf32>
    %add3A_9 = arith.addf %dot_general3A_5, %add3A : vector<2000x1xf32>
    %swap3A = arith.constant 0 : index
    %swap3A_10 = arith.constant 0 : index
    %swap3A_11 = vector.load %arg3[%swap3A, %swap3A_10] : memref<2000x1xf32, #tpu.memory_space<vmem>>, vector<2000x1xf32>
    tpu.vector_store %arg3[%swap3A, %swap3A_10], %add3A_9 {strides = array<i32>} : memref<2000x1xf32, #tpu.memory_space<vmem>>, vector<2000x1xf32>,
    return
  }
}

</mosaic_0001>

<sc_bundles>
// kernel: gather_offload_async_start.1
scs
__scs_entry_jumppad:
0x0: {  	(pc) =	sbr.rel $0x88, $3  }
0x1: {  	(tag) =	ssettag $0x0;
	lr =	simm.s32 $0x1  }
0x2: {  	[smem:$0x3F96] =	sst lr;
	_ =	strace $0xD0000000  }
0x3: {  	_ = 	snop  }
0x4: {  	_ = 	snop  }
0x5: {  	_ = 	snop  }
0x6: {  	_ = 	snop  }
0x7: {  	_ = 	snop  }
__scs_overlays_trampoline_lowered:
0x8: {  	[smem:$0x3FA5] =	sst s0  }
0x9: {  	[smem:$0x3FA6] =	sst s1  }
0xa: {  	[smem:$0x3FA7] =	sst s2  }
0xb: {  	[smem:$0x3FA8] =	sst s3  }
0xc: {  	[smem:$0x3FA9] =	sst s4  }
0xd: {  	[smem:$0x3FAA] =	sst s5  }
0xe: {  	[smem:$0x3FAB] =	sst s6  }
0xf: {  	[smem:$0x3FAC] =	sst s7  }
0x10: {  	[smem:$0x3FAD] =	sst s8  }
0x11: {  	[smem:$0x3FAE] =	sst s9;
	s0 =	simm.s32 @!p0 $0x0  }
0x12: {  	s1 =	sld [smem:$0x3F94];
	s0 =	simm.s32 @p0 $0x1  }
0x13: {  	[smem:$0x3FAF] =	sst s0;
	s0 =	simm.s32 @!p1 $0x0  }
0x14: {  	s2 =	sld [smem:$0x3F93];
	s0 =	simm.s32 @p1 $0x1  }
0x15: {  	[smem:$0x3FB0] =	sst s0;
	s0 =	simm.s32 @!p2 $0x0  }
0x16: {  	s3 =	sld [smem:$0x3FDB];
	s0 =	simm.s32 @p2 $0x1  }
0x17: {  	s4 =	simm.s32 $0x1BF5;
	[smem:$0x3FB2] =	sst s0  }
0x18: {  	s0 =	sld [smem:$0x3F95];
	_ =	swait.ge [sflag:s4], $0x0  }
0x19: {  	s7 =	sld [smem:$0x3F96]  }
0x1a: {  	s8 =	sadd.s32 $0xFFFFE003, lr  }
0x1b: {  	s9 =	sadd.s32 $0xFFFFFEF7, lr;
	s5 =	simm.s32 $0xFFFFFFFF;
	p2 =	slt.u32 s8, $0xFFFFF086  }
0x1c: {  	p1 =	slt.u32 s9, $0xF7A;
	s5 =	simm.s32 @!p2 $0x0  }
0x1d: {  	s5 =	simm.s32 @p1 $0x1;
	p0 =	seq.s32 s7, s2  }
0x1e: {  	s7 =	smul.u32 @!p0 $0xF7A, s2;
	p2 =	seq.s32 @!p0 s5, $0x0  }
0x1f: {  	s9 =	smul.u32 $0xF7A, s1;
	s8 =	simm.s32 @!p0 $0x1BF5;
	p2 =	por !p2, p0  }
0x20: {  	[sflag:s8] =	ssyncset.s32 @!p0 $0xFFFFF086;
	s6 =	sadd.s32 @!p0 s3, s7;
	s7 =	simm.s32 @!p0 $0x108  }
0x21: {  	s3 =	sadd.s32 s3, s9;
	s6 =	sadd.s32 @!p0 $0x88, s6;
	s7 =	simm.s32 @p2 $0x1082  }
0x22: {  	[simem:s7], [sflag:s8] =	dma.local @!p0 [hbm:s6], $0xF7A  }
0x23: {  	s9 =	sor.u32 $0xD0000000, s2;
	s6 =	simm.s32 $0x108;
	_ =	swait.ge @!p0 [sflag:s8], $0x0  }
0x24: {  	s3 =	sadd.s32 $0x88, s3;
	s6 =	simm.s32 @!p1 $0x1082;
	[sflag:s4] =	ssyncset.s32 $0xFFFFF086  }
0x25: {  	[simem:s6], [sflag:s4] =	dma.local [hbm:s3], $0xF7A  }
0x26: {  	[smem:$0x3F96] =	sst s1;
	(tag) =	ssettag s2;
	_ =	strace s9  }
0x27: {  	s1 =	sld [smem:$0x3FA6]  }
0x28: {  	s2 =	sld [smem:$0x3FA7]  }
0x29: {  	s4 =	sld [smem:$0x3FA9]  }
0x2a: {  	p0 =	seq.s32 s5, $0x0;
	s5 =	sld [smem:$0x3FAA]  }
0x2b: {  	s6 =	sld [smem:$0x3FAB]  }
0x2c: {  	s7 =	sld [smem:$0x3FAC]  }
0x2d: {  	s3 =	simm.s32 $0x108;
	s8 =	sld [smem:$0x3FAD]  }
0x2e: {  	s3 =	simm.s32 @!p0 $0x1082;
	s9 =	sld [smem:$0x3FAE]  }
0x2f: {  	lr =	sadd.s32 s0, s3;
	s0 =	sld [smem:$0x3FA5]  }
0x30: {  	s3 =	sld [smem:$0x3FA8]  }
0x31: {  	[smem:$0x3FB1] =	sst s10  }
0x32: {  	s10 =	sld [smem:$0x3FAF];
	_ =	sdelay $0x3  }
0x33: {  	p0 =	seq.s32 s10, $0x1;
	s10 =	sld [smem:$0x3FB1];
	_ =	sdelay $0x3  }
0x34: {  	[smem:$0x3FB1] =	sst s10  }
0x35: {  	s10 =	sld [smem:$0x3FB0];
	_ =	sdelay $0x3  }
0x36: {  	p1 =	seq.s32 s10, $0x1;
	s10 =	sld [smem:$0x3FB1];
	_ =	sdelay $0x3  }
0x37: {  	[smem:$0x3FB1] =	sst s10  }
0x38: {  	s10 =	sld [smem:$0x3FB2]  }
0x39: {  	_ = 	snop;
	(pc) =	sbr.ind lr, $3  }
0x3a: {  	_ = 	snop  }
0x3b: {  	_ = 	snop  }
0x3c: {  	p2 =	seq.s32 s10, $0x1;
	s10 =	sld [smem:$0x3FB1]  }
0x3d: {  	_ =	shalt  }
0x3e: {  	_ =	shalt  }
0x3f: {  	_ =	shalt  }
0x40: {  	_ =	shalt  }
0x41: {  	_ =	shalt  }
0x42: {  	_ =	shalt  }
0x43: {  	_ =	shalt  }
0x44: {  	_ =	shalt  }
0x45: {  	_ =	shalt  }
0x46: {  	_ =	shalt  }
0x47: {  	_ =	shalt  }
0x48: {  	_ =	shalt  }
0x49: {  	_ =	shalt  }
0x4a: {  	_ =	shalt  }
0x4b: {  	_ =	shalt  }
0x4c: {  	_ =	shalt  }
0x4d: {  	_ =	shalt  }
0x4e: {  	_ =	shalt  }
0x4f: {  	_ =	shalt  }
0x50: {  	_ =	shalt  }
0x51: {  	_ =	shalt  }
0x52: {  	_ =	shalt  }
0x53: {  	_ =	shalt  }
0x54: {  	_ =	shalt  }
0x55: {  	_ =	shalt  }
0x56: {  	_ =	shalt  }
0x57: {  	_ =	shalt  }
0x58: {  	_ =	shalt  }
0x59: {  	_ =	shalt  }
0x5a: {  	_ =	shalt  }
0x5b: {  	_ =	shalt  }
0x5c: {  	_ =	shalt  }
0x5d: {  	_ =	shalt  }
0x5e: {  	_ =	shalt  }
0x5f: {  	_ =	shalt  }
0x60: {  	_ =	shalt  }
0x61: {  	_ =	shalt  }
0x62: {  	_ =	shalt  }
0x63: {  	_ =	shalt  }
0x64: {  	_ =	shalt  }
0x65: {  	_ =	shalt  }
0x66: {  	_ =	shalt  }
0x67: {  	_ =	shalt  }
0x68: {  	_ =	shalt  }
0x69: {  	_ =	shalt  }
0x6a: {  	_ =	shalt  }
0x6b: {  	_ =	shalt  }
0x6c: {  	_ =	shalt  }
0x6d: {  	_ =	shalt  }
0x6e: {  	_ =	shalt  }
0x6f: {  	_ =	shalt  }
0x70: {  	_ =	shalt  }
0x71: {  	_ =	shalt  }
0x72: {  	_ =	shalt  }
0x73: {  	_ =	shalt  }
0x74: {  	_ =	shalt  }
0x75: {  	_ =	shalt  }
0x76: {  	_ =	shalt  }
0x77: {  	_ =	shalt  }
0x78: {  	_ =	shalt  }
0x79: {  	_ =	shalt  }
0x7a: {  	_ =	shalt  }
0x7b: {  	_ =	shalt  }
0x7c: {  	_ =	shalt  }
0x7d: {  	_ =	shalt  }
0x7e: {  	_ =	shalt  }
0x7f: {  	_ =	shalt  }
0x80: {  	_ =	shalt  }
0x81: {  	_ =	shalt  }
0x82: {  	_ =	shalt  }
0x83: {  	_ =	shalt  }
0x84: {  	_ =	shalt  }
0x85: {  	_ =	shalt  }
0x86: {  	_ =	shalt  }
0x87: {  	_ =	shalt  }
.Lfunc_end0:
.L_simem_size_0:
called_computation.3_lowered:
.L_overlay_start_0:
0x88: {  	s0 =	sld [smem:$0x3FD9]  }
0x89: {  	s1 =	sld [smem:$0x3FFE];
	_ =	sdelay $0x3  }
0x8a: {  	s0 =	sadd.s32 s1, s0  }
0x8b: {  	[smem:$0x3FBD] =	sst s0  }
0x8c: {  	_ = 	snop  }
0x8d: {  	(tm) =	ssettm $0x1  }
0x8e: {  	s15 =	sld [smem:$0x3FFB];
	_ =	sdelay $0x3  }
0x8f: {  	_ =	strace s15  }
0x90: {  	s0 =	sld [smem:$0x3FFC];
	_ =	sdelay $0x3  }
0x91: {  	_ =	strace s0  }
0x92: {  	s0 =	sld [smem:$0x3FFD];
	_ =	sdelay $0x3  }
0x93: {  	_ =	strace s0  }
0x94: {  	_ =	strace $0x8FFFFFFF  }
0x95: {  	s16 =	sld [smem:$0x3FDB];
	_ =	sdelay $0x1  }
0x96: {  	s17 =	simm.s32 $_scs_section_size  }
0x97: {  	s2 =	simm.s32 $_size__tile_overlayer_lowered;
	s3 =	simm.s32 $_tile_overlayer_lowered  }
0x98: {  	s20 =	simm.s32 $0x1BFF;
	s19 =	sshll.u32 s3, $0x1;
	s0 =	sadd.s32 s17, s16  }
0x99: {  	s4 =	simm.s32 $0x0;
	s18 =	sshll.u32 s2, $0x1;
	s2 =	sadd.s32 s19, s0  }
0x9a: {  	[timem:s4], [sflag:s20] =	dma.local [hbm:s2], s18  }
0x9b: {  	_ =	swait.ge [sflag:s20], s18  }
0x9c: {  	s1 =	ssub.s32 $0x0, s18;
	[sflag:s20] =	ssyncset.done $0x0  }
0x9d: {  	[sflag:s20] =	ssyncadd.s32 s1;
	_ =	sdelay $0x1  }
0x9e: {  	s21 =	simm.s32 $0x1B8B  }
0x9f: {  	_ =	swait.ge [sflag:s21], $0x1  }
0xa0: {  	[sflag:s21] =	ssyncset.done $0x0  }
0xa1: {  	s23 =	simm.s32 $0x1B8E;
	s22 =	sld [smem:$0x3FFE];
	[sflag:s21] =	ssyncadd.s32 $0xFFFFFFFF  }
0xa2: {  	s24 =	simm.s32 $execute0_lowered;
	[smem:$0x3FD2] =	sst s23  }
0xa3: {  	s2 =	sshll.u32 s24, $0x1;
	_ =	strace $0x8000004F;
	[dreg:$0x1] =	wrdreg $0xFFFFFFFF  }
0xa4: {  	s25 =	simm.s32 $_size_execute0_lowered;
	s0 =	sadd.s32 s0, s2;
	[dreg:$0x0] =	wrdreg $0x0  }
0xa5: {  	s2 =	sshll.u32 s25, $0x1;
	[dreg:$0x2] =	wrdreg s0  }
0xa6: {  	[dreg:$0x3] =	wrdreg s2  }
0xa7: {  	[dreg:$0x4] =	wrdreg $0xC0  }
0xa8: {  	_ =	task [dreg:s4], $0x5FFFF  }
0xa9: {  	[dreg:$0x1] =	wrdreg $0xFFFFFFFF  }
0xaa: {  	[dreg:$0x0] =	wrdreg $0x60  }
0xab: {  	[dreg:$0x2] =	wrdreg s22  }
0xac: {  	[dreg:$0x3] =	wrdreg $0xA  }
0xad: {  	_ =	task.clear_ibuf [dreg:s4], $0x4FFFF;
	_ =	strace $0x9000004F  }
0xae: {  	s26 =	simm.s32 $0xA;
	_ =	strace $0x80000051  }
0xaf: {  	_ =	swait.ge [sflag:s26], $0x1  }
0xb0: {  	[sflag:s26] =	ssyncadd.s32 $0xFFFFFFFF  }
0xb1: {  	_ =	strace $0x90000051  }
0xb2: {  	_ =	sfence  }
0xb3: {  	s28 =	sld [smem:$0x0];
	_ =	sdelay $0x1  }
0xb4: {  	s29 =	srdreg.scid  }
0xb5: {  	s30 =	sshll.u32 s29, $0xD;
	s31 =	sshrl.u32 s29, $0x2  }
0xb6: {  	s1 =	sand.u32 $0x1, s29;
	s2 =	sand.u32 $0x4000, s30;
	s0 =	sadd.s32 s31, s28  }
0xb7: {  	s1 =	sor.u32 s2, s1;
	s0 =	sshll.u32 s0, $0x11  }
0xb8: {  	s0 =	sor.u32 s0, s1  }
0xb9: {  	s0 =	sadd.s32 $0x8F2B, s0  }
0xba: {  	[sflag:s0] =	ssyncadd.remote.s32 $0x1  }
0xbb: {  	_ =	sfence.sel $0xFFFF  }
0xbc: {  	[dreg:$0x0] =	wrdreg $0xFFFFFFFF;
	(pc) =	sbr.abs _section_cstart, $3  }
0xbd: {  	[dreg:$0x1] =	wrdreg $0xFFFFFFFF  }
0xbe: {  	_ =	task.clear_ibuf [dreg:s4], $0x2FFFF;
	_ =	strace $0x9FFFFFFF  }
0xbf: {  	(tm) =	ssettm $0x7FFFFFFF  }
tec
execute0_lowered:
.L_overlay_start_1:
0x0: {  	(tag) =	ssettag $0x1  }
0x1: {  	s0 =	stileid.u32  }
0x2: {  	s1 =	smul.u32 $0x7, s0  }
0x3: {  	s2 =	smin.u32 s0, $0xD  }
0x4: {  	s1 =	sadd.s32 s2, s1  }
0x5: {  	p0 =	slt.u32 s0, $0xD;
	s2 =	simm.s32 $0xC80;
	s1 =	smul.u32 $0x190, s1  }
0x6: {  	s2 =	simm.s32 @!p0 $0xAF0  }
0x7: {  	s2 =	sadd.s32 s2, s1  }
0x8: {  	s3 =	smin.u32 s2, $0xC350  }
0x9: {  	s7 =	ssub.s32 s3, s1  }
0xa: {  	p0 =	sgt.s32 s7, $0x0  }
0xb: {  	s7 =	simm.s32 @!p0 $0x0  }
0xc: {  	s31 =	sand.u32 $0xFFF0, s7  }
0xd: {  	s2 =	sshrl.u32 s31, $0x4  }
0xe: {  	s4 =	smul.u32 $0xA3E, s2  }
0xf: {  	s9 =	rddreg [dreg:$0x0];
	s6 =	simm.s32 $0x1;
	s11 =	simm.s32 $0x3  }
0x10: {  	s13 =	simm.s32 $0x0;
	s12 =	simm.s32 $0x0;
	s8 =	sshrl.u32 s4, $0x10  }
0x11: {  	s2 =	rddreg [dreg:$0x1];
	_ =	strace $0x80000050;
	s10 =	smul.u32 $0x190, s8  }
.Ltmp0:
0x12: {  	s5 =	sadd.s32 $0x2E00, s9;
	[sflag:s6] =	ssyncpa.u1 $0x0;
	(pc) =	sbr.rel .LBB2_1-.Ltmp0, $4  }
0x13: {  	s4 =	sadd.s32 $0xF46C00, s9;
	p0 =	sne.s32 s7, s10;
	s10 =	simm.s32 $0x1  }
0x14: {  	s9 =	sadd.s32 $0xC7E00, s9;
	s7 =	simm.s32 $0x2;
	s10 =	simm.s32 @!p0 $0x0  }
0x15: {  	[sflag:s7] =	ssyncpa.u1 $0x0;
	p0 =	por $0x0, $0x0;
	s8 =	sadd.s32 s8, s10  }
0x16: {  	vm0 =	vmmov $0xff;
	vm1 =	vcmask $0x3F20;
	[sflag:s11] =	ssyncpa.u1 $0x0;
	s11 =	smov.u32 s1;
	s10 =	sadd.s32 $0x1, s8  }
.LBB2_6:
0x17: {  	[hbm:s17] =	stream.linear.scatter [tilespmem:s14], [sflag:$0x3], $0x400, $0x38;
	[tilespmem:$0x19320] =	vst v63  }
.LBB2_7:
0x18: {  	s13 =	sadd.s32 $0x190, s11  }
0x19: {  	s15 =	smov.u32 s1;
	p2 =	slt.s32 s13, s3  }
0x1a: {  	s15 =	smov.u32 @p2 s13;
	p2 =	sne.s32 s12, s10  }
.Ltmp1:
0x1b: {  	p1 =	slt.u32 s12, $0x2;
	(pc) =	sbr.rel @!p2 .LBB2_8-.Ltmp1, $4  }
0x1c: {  	s14 =	simm.s32 @!p1 $0x3  }
0x1d: {  	s16 =	sadd.s32 $0x1, s12;
	_ =	swait.ge @!p1 [sflag:s14], $0xC800  }
0x1e: {  	p0 =	por !p0, !p0;
	s13 =	smov.u32 s11;
	[sflag:s14] =	ssyncset.done @!p1 $0x0  }
0x1f: {  	s12 =	smov.u32 s16;
	s11 =	smov.u32 s15;
	[sflag:s14] =	ssyncadd.s32 @!p1 $0xFFFF3800  }
.LBB2_1:
0x20: {  	p1 =	sge.u32 s12, s8  }
0x21: {  	s14 =	sxor.u32 @!p1 $0xFFFFFFFF, s12  }
0x22: {  	s14 =	sand.u32 @!p1 $0x1, s14  }
0x23: {  	s14 =	smul.u32 @!p1 $0x640, s14  }
0x24: {  	s31 =	sadd.s32 $0xFFFFFFFF, s12;
	s15 =	sshrl.u32 @!p1 s11, $0x3  }
0x25: {  	s16 =	sand.u32 @!p1 $0x7, s11;
	s15 =	sadd.s32 @!p1 s5, s15;
	s14 =	sshrl.u32 @!p1 s14, $0x2  }
0x26: {  	[tilespmem:s14], [sflag:$0x2] =	stream.linear.gather @!p1 [hbm4b:s15+s16], $0x190, $0x38;
	[tilespmem:$0x19320] =	vst v63  }
0x27: {  	p1 =	sge.u32 s31, s8  }
.Ltmp2:
0x28: {  	_ = 	snop;
	(pc) =	sbr.rel @p1 .LBB2_7-.Ltmp2, $1  }
0x29: {  	_ =	sdelay $0x3  }
0x2a: {  	s14 =	simm.s32 $0x1  }
0x2b: {  	s14 =	simm.s32 @!p0 $0x0  }
0x2c: {  	s15 =	smul.u32 $0x640, s14  }
0x2d: {  	_ =	swait.ge [sflag:s7], $0x190  }
0x2e: {  	[sflag:s7] =	ssyncset.done $0x0;
	s16 =	sshrl.u32 s15, $0x2  }
0x2f: {  	[sflag:s7] =	ssyncadd.s32 $0xFFFFFE70;
	s15 =	sadd.s32 $0x0, s16  }
0x30: {  	v0 =	vld.msk [tilespmem:s15+$0x0 ss:$0x1], $0xffff;
	_ =	sdelay $0x4  }
0x31: {  	vm2 =	vgt.s32 v0, $0x0  }
0x32: {  	v0 =	vnsel vm2, $0x0, v0  }
0x33: {  	v0 =	vmin.u32 v0, $0xF4240  }
0x34: {  	v0 =	vshll.u32 v0, $0x4  }
0x35: {  	s14 =	smul.u32 $0x32000, s14;
	_ =	sdelay $0x1  }
0x36: {  	s14 =	sshrl.u32 s14, $0x2  }
0x37: {  	s14 =	sor.u32 $0x320, s14  }
0x38: {  	[tilespmem:s14], [sflag:$0x1] =	stream.indirect_vreg.gather [hbm:s4], $0x80, v0, vm0, $0x38;
	[tilespmem:$0x19320] =	vst v63  }
0x39: {  	s17 =	sadd.s32 $0x10, s16;
	s15 =	sadd.s32 $0x400, s14  }
0x3a: {  	[tilespmem:s15], [sflag:$0x1] =	stream.indirect_vreg.gather [hbm:s4], $0x80, v0, vm1, $0x38;
	[tilespmem:$0x19320] =	vst v63  }
0x3b: {  	s18 =	simm.s32 $0x80;
	v0 =	vld.msk [tilespmem:s17+$0x0 ss:$0x1], $0xffff;
	s17 =	smov.u32 s14  }
.LBB2_3:
0x3c: {  	p1 =	sne.s32 s18, $0x600;
	_ =	sdelay $0x4  }
0x3d: {  	vm2 =	vgt.s32 v0, $0x0  }
0x3e: {  	v0 =	vnsel vm2, $0x0, v0  }
0x3f: {  	v0 =	vmin.u32 v0, $0xF4240  }
0x40: {  	v0 =	vshll.u32 v0, $0x4;
	_ =	sdelay $0x3  }
.Ltmp3:
0x41: {  	s19 =	sshra.s32 s18, $0x2;
	s17 =	sadd.s32 $0x800, s17;
	(pc) =	sbr.rel @p1 .LBB2_3-.Ltmp3, $4  }
0x42: {  	[tilespmem:s17], [sflag:$0x1] =	stream.indirect_vreg.gather [hbm:s4], $0x80, v0, vm0, $0x38;
	[tilespmem:$0x19320] =	vst v63  }
0x43: {  	s19 =	sadd.s32 s19, s16;
	s20 =	sadd.s32 $0x400, s17  }
0x44: {  	[tilespmem:s20], [sflag:$0x1] =	stream.indirect_vreg.gather [hbm:s4], $0x80, v0, vm1, $0x38;
	[tilespmem:$0x19320] =	vst v63  }
0x45: {  	s18 =	sadd.s32 $0x40, s18;
	v0 =	vld.msk [tilespmem:s19+$0x0 ss:$0x1], $0xffff  }
0x46: {  	_ =	sdelay $0x3  }
0x47: {  	vm2 =	vgt.s32 v0, $0x0  }
0x48: {  	v0 =	vnsel vm2, $0x0, v0  }
0x49: {  	v0 =	vmin.u32 v0, $0xF4240  }
0x4a: {  	v0 =	vshll.u32 v0, $0x4;
	_ =	sdelay $0x3  }
0x4b: {  	s16 =	sadd.s32 $0x800, s17  }
0x4c: {  	[tilespmem:s16], [sflag:$0x1] =	stream.indirect_vreg.gather [hbm:s4], $0x80, v0, vm0, $0x38;
	[tilespmem:$0x19320] =	vst v63  }
0x4d: {  	s16 =	sadd.s32 $0x400, s16  }
0x4e: {  	[tilespmem:s16], [sflag:$0x1] =	stream.indirect_vreg.gather [hbm:s4], $0x80, v0, vm1, $0x38;
	[tilespmem:$0x19320] =	vst v63  }
0x4f: {  	s13 =	sshll.u32 s13, $0x4;
	_ =	swait.ge [sflag:s6], $0xC800  }
0x50: {  	s13 =	sadd.s32 s13, s9;
	[sflag:s6] =	ssyncset.done $0x0  }
0x51: {  	s17 =	sadd.s32 $0x0, s13;
	s16 =	simm.s32 $0x80;
	[sflag:s6] =	ssyncadd.s32 $0xFFFF3800  }
.LBB2_5:
0x52: {  	[hbm:s17] =	stream.linear.scatter [tilespmem:s14], [sflag:$0x3], $0x400, $0x38;
	[tilespmem:$0x19320] =	vst v63  }
0x53: {  	s17 =	smov.u32 s16;
	s14 =	smov.u32 s15;
	p1 =	sne.s32 s16, $0x1880  }
.Ltmp4:
0x54: {  	s16 =	sadd.s32 $0x80, s16;
	(pc) =	sbr.rel @p1 .LBB2_5-.Ltmp4, $2  }
0x55: {  	_ =	sdelay $0x2  }
0x56: {  	s15 =	sadd.s32 $0x400, s15;
	s17 =	sadd.s32 s17, s13  }
.Ltmp5:
0x57: {  	_ = 	snop;
	(pc) =	sbr.rel .LBB2_6-.Ltmp5, $1  }
0x58: {  	_ =	sdelay $0x3  }
.LBB2_8:
0x59: {  	_ =	sfence.sel $0x180000  }
0x5a: {  	s1 =	simm.s32 $0x2;
	[bflag:$0x0] =	sbarrier.arrive $0xFFFF  }
0x5b: {  	s30 =	simm.s32 $0x3;
	[sflag:s1] =	ssyncpa.u1 $0x1  }
0x5c: {  	s31 =	simm.s32 $0x1;
	[sflag:s30] =	ssyncpa.u1 $0x1  }
0x5d: {  	[sflag:s31] =	ssyncpa.u1 $0x1  }
0x5e: {  	p0 =	sne.s32 s0, $0x0;
	_ =	strace $0x90000050  }
0x5f: {  	s0 =	sadd.s32 @!p0 $0x100000, s2;
	[bflag:$0x2] =	sbarrier.arrive $0xFFFF  }
0x60: {  	[sflag:s0] =	ssyncadd.tile.s32 @!p0 $0x1;
	_ =	shalt  }
.Lfunc_end2:
_tile_overlayer_lowered:
.L_overlay_start_2:
0x61: {  	(tag) =	ssettag $0x2  }
0x62: {  	s0 =	rddreg [dreg:$0x0];
	s2 =	stileid.u32  }
0x63: {  	s1 =	rddreg [dreg:$0x1];
	p0 =	sne.s32 s2, $0x0  }
0x64: {  	s3 =	rddreg [dreg:$0x2];
	[bflag:$0x3] =	sbarrier.arrive $0xFFFF;
	s2 =	simm.s32 @!p0 $0x1C01  }
0x65: {  	[timem:s3], [sflag:s2] =	dma.local @!p0 [hbm:s0], s1  }
0x66: {  	s0 =	simm.s32 @!p0 $0x1  }
0x67: {  	_ =	swait.ge @!p0 [sflag:s0], s1  }
0x68: {  	s1 =	ssub.s32 @!p0 $0x0, s1;
	[sflag:s0] =	ssyncset.done @!p0 $0x0  }
0x69: {  	[sflag:s0] =	ssyncadd.s32 @!p0 s1  }
0x6a: {  	[bflag:$0x3] =	sbarrier.arrive $0xFFFF  }
0x6b: {  	_ =	shalt  }

// kernel: gather_offload_async_start
scs
__scs_entry_jumppad:
0x0: {  	(pc) =	sbr.rel $0x88, $3  }
0x1: {  	(tag) =	ssettag $0x0;
	lr =	simm.s32 $0x1  }
0x2: {  	[smem:$0x3F96] =	sst lr;
	_ =	strace $0xD0000000  }
0x3: {  	_ = 	snop  }
0x4: {  	_ = 	snop  }
0x5: {  	_ = 	snop  }
0x6: {  	_ = 	snop  }
0x7: {  	_ = 	snop  }
__scs_overlays_trampoline_lowered:
0x8: {  	[smem:$0x3FA5] =	sst s0  }
0x9: {  	[smem:$0x3FA6] =	sst s1  }
0xa: {  	[smem:$0x3FA7] =	sst s2  }
0xb: {  	[smem:$0x3FA8] =	sst s3  }
0xc: {  	[smem:$0x3FA9] =	sst s4  }
0xd: {  	[smem:$0x3FAA] =	sst s5  }
0xe: {  	[smem:$0x3FAB] =	sst s6  }
0xf: {  	[smem:$0x3FAC] =	sst s7  }
0x10: {  	[smem:$0x3FAD] =	sst s8  }
0x11: {  	[smem:$0x3FAE] =	sst s9;
	s0 =	simm.s32 @!p0 $0x0  }
0x12: {  	s1 =	sld [smem:$0x3F94];
	s0 =	simm.s32 @p0 $0x1  }
0x13: {  	[smem:$0x3FAF] =	sst s0;
	s0 =	simm.s32 @!p1 $0x0  }
0x14: {  	s2 =	sld [smem:$0x3F93];
	s0 =	simm.s32 @p1 $0x1  }
0x15: {  	[smem:$0x3FB0] =	sst s0;
	s0 =	simm.s32 @!p2 $0x0  }
0x16: {  	s3 =	sld [smem:$0x3FDB];
	s0 =	simm.s32 @p2 $0x1  }
0x17: {  	s4 =	simm.s32 $0x1BF5;
	[smem:$0x3FB2] =	sst s0  }
0x18: {  	s0 =	sld [smem:$0x3F95];
	_ =	swait.ge [sflag:s4], $0x0  }
0x19: {  	s7 =	sld [smem:$0x3F96]  }
0x1a: {  	s8 =	sadd.s32 $0xFFFFE003, lr  }
0x1b: {  	s9 =	sadd.s32 $0xFFFFFEF7, lr;
	s5 =	simm.s32 $0xFFFFFFFF;
	p2 =	slt.u32 s8, $0xFFFFF086  }
0x1c: {  	p1 =	slt.u32 s9, $0xF7A;
	s5 =	simm.s32 @!p2 $0x0  }
0x1d: {  	s5 =	simm.s32 @p1 $0x1;
	p0 =	seq.s32 s7, s2  }
0x1e: {  	s7 =	smul.u32 @!p0 $0xF7A, s2;
	p2 =	seq.s32 @!p0 s5, $0x0  }
0x1f: {  	s9 =	smul.u32 $0xF7A, s1;
	s8 =	simm.s32 @!p0 $0x1BF5;
	p2 =	por !p2, p0  }
0x20: {  	[sflag:s8] =	ssyncset.s32 @!p0 $0xFFFFF086;
	s6 =	sadd.s32 @!p0 s3, s7;
	s7 =	simm.s32 @!p0 $0x108  }
0x21: {  	s3 =	sadd.s32 s3, s9;
	s6 =	sadd.s32 @!p0 $0x88, s6;
	s7 =	simm.s32 @p2 $0x1082  }
0x22: {  	[simem:s7], [sflag:s8] =	dma.local @!p0 [hbm:s6], $0xF7A  }
0x23: {  	s9 =	sor.u32 $0xD0000000, s2;
	s6 =	simm.s32 $0x108;
	_ =	swait.ge @!p0 [sflag:s8], $0x0  }
0x24: {  	s3 =	sadd.s32 $0x88, s3;
	s6 =	simm.s32 @!p1 $0x1082;
	[sflag:s4] =	ssyncset.s32 $0xFFFFF086  }
0x25: {  	[simem:s6], [sflag:s4] =	dma.local [hbm:s3], $0xF7A  }
0x26: {  	[smem:$0x3F96] =	sst s1;
	(tag) =	ssettag s2;
	_ =	strace s9  }
0x27: {  	s1 =	sld [smem:$0x3FA6]  }
0x28: {  	s2 =	sld [smem:$0x3FA7]  }
0x29: {  	s4 =	sld [smem:$0x3FA9]  }
0x2a: {  	p0 =	seq.s32 s5, $0x0;
	s5 =	sld [smem:$0x3FAA]  }
0x2b: {  	s6 =	sld [smem:$0x3FAB]  }
0x2c: {  	s7 =	sld [smem:$0x3FAC]  }
0x2d: {  	s3 =	simm.s32 $0x108;
	s8 =	sld [smem:$0x3FAD]  }
0x2e: {  	s3 =	simm.s32 @!p0 $0x1082;
	s9 =	sld [smem:$0x3FAE]  }
0x2f: {  	lr =	sadd.s32 s0, s3;
	s0 =	sld [smem:$0x3FA5]  }
0x30: {  	s3 =	sld [smem:$0x3FA8]  }
0x31: {  	[smem:$0x3FB1] =	sst s10  }
0x32: {  	s10 =	sld [smem:$0x3FAF];
	_ =	sdelay $0x3  }
0x33: {  	p0 =	seq.s32 s10, $0x1;
	s10 =	sld [smem:$0x3FB1];
	_ =	sdelay $0x3  }
0x34: {  	[smem:$0x3FB1] =	sst s10  }
0x35: {  	s10 =	sld [smem:$0x3FB0];
	_ =	sdelay $0x3  }
0x36: {  	p1 =	seq.s32 s10, $0x1;
	s10 =	sld [smem:$0x3FB1];
	_ =	sdelay $0x3  }
0x37: {  	[smem:$0x3FB1] =	sst s10  }
0x38: {  	s10 =	sld [smem:$0x3FB2]  }
0x39: {  	_ = 	snop;
	(pc) =	sbr.ind lr, $3  }
0x3a: {  	_ = 	snop  }
0x3b: {  	_ = 	snop  }
0x3c: {  	p2 =	seq.s32 s10, $0x1;
	s10 =	sld [smem:$0x3FB1]  }
0x3d: {  	_ =	shalt  }
0x3e: {  	_ =	shalt  }
0x3f: {  	_ =	shalt  }
0x40: {  	_ =	shalt  }
0x41: {  	_ =	shalt  }
0x42: {  	_ =	shalt  }
0x43: {  	_ =	shalt  }
0x44: {  	_ =	shalt  }
0x45: {  	_ =	shalt  }
0x46: {  	_ =	shalt  }
0x47: {  	_ =	shalt  }
0x48: {  	_ =	shalt  }
0x49: {  	_ =	shalt  }
0x4a: {  	_ =	shalt  }
0x4b: {  	_ =	shalt  }
0x4c: {  	_ =	shalt  }
0x4d: {  	_ =	shalt  }
0x4e: {  	_ =	shalt  }
0x4f: {  	_ =	shalt  }
0x50: {  	_ =	shalt  }
0x51: {  	_ =	shalt  }
0x52: {  	_ =	shalt  }
0x53: {  	_ =	shalt  }
0x54: {  	_ =	shalt  }
0x55: {  	_ =	shalt  }
0x56: {  	_ =	shalt  }
0x57: {  	_ =	shalt  }
0x58: {  	_ =	shalt  }
0x59: {  	_ =	shalt  }
0x5a: {  	_ =	shalt  }
0x5b: {  	_ =	shalt  }
0x5c: {  	_ =	shalt  }
0x5d: {  	_ =	shalt  }
0x5e: {  	_ =	shalt  }
0x5f: {  	_ =	shalt  }
0x60: {  	_ =	shalt  }
0x61: {  	_ =	shalt  }
0x62: {  	_ =	shalt  }
0x63: {  	_ =	shalt  }
0x64: {  	_ =	shalt  }
0x65: {  	_ =	shalt  }
0x66: {  	_ =	shalt  }
0x67: {  	_ =	shalt  }
0x68: {  	_ =	shalt  }
0x69: {  	_ =	shalt  }
0x6a: {  	_ =	shalt  }
0x6b: {  	_ =	shalt  }
0x6c: {  	_ =	shalt  }
0x6d: {  	_ =	shalt  }
0x6e: {  	_ =	shalt  }
0x6f: {  	_ =	shalt  }
0x70: {  	_ =	shalt  }
0x71: {  	_ =	shalt  }
0x72: {  	_ =	shalt  }
0x73: {  	_ =	shalt  }
0x74: {  	_ =	shalt  }
0x75: {  	_ =	shalt  }
0x76: {  	_ =	shalt  }
0x77: {  	_ =	shalt  }
0x78: {  	_ =	shalt  }
0x79: {  	_ =	shalt  }
0x7a: {  	_ =	shalt  }
0x7b: {  	_ =	shalt  }
0x7c: {  	_ =	shalt  }
0x7d: {  	_ =	shalt  }
0x7e: {  	_ =	shalt  }
0x7f: {  	_ =	shalt  }
0x80: {  	_ =	shalt  }
0x81: {  	_ =	shalt  }
0x82: {  	_ =	shalt  }
0x83: {  	_ =	shalt  }
0x84: {  	_ =	shalt  }
0x85: {  	_ =	shalt  }
0x86: {  	_ =	shalt  }
0x87: {  	_ =	shalt  }
.Lfunc_end0:
.L_simem_size_0:
called_computation.2_lowered:
.L_overlay_start_0:
0x88: {  	s0 =	sld [smem:$0x3FD9]  }
0x89: {  	s1 =	sld [smem:$0x3FFE];
	_ =	sdelay $0x3  }
0x8a: {  	s0 =	sadd.s32 s1, s0  }
0x8b: {  	[smem:$0x3FBD] =	sst s0  }
0x8c: {  	_ = 	snop  }
0x8d: {  	(tm) =	ssettm $0x1  }
0x8e: {  	s15 =	sld [smem:$0x3FFB];
	_ =	sdelay $0x3  }
0x8f: {  	_ =	strace s15  }
0x90: {  	s0 =	sld [smem:$0x3FFC];
	_ =	sdelay $0x3  }
0x91: {  	_ =	strace s0  }
0x92: {  	s0 =	sld [smem:$0x3FFD];
	_ =	sdelay $0x3  }
0x93: {  	_ =	strace s0  }
0x94: {  	_ =	strace $0x8FFFFFFF  }
0x95: {  	s16 =	sld [smem:$0x3FDB];
	_ =	sdelay $0x1  }
0x96: {  	s17 =	simm.s32 $_scs_section_size  }
0x97: {  	s2 =	simm.s32 $_size__tile_overlayer_lowered;
	s3 =	simm.s32 $_tile_overlayer_lowered  }
0x98: {  	s20 =	simm.s32 $0x1BFF;
	s19 =	sshll.u32 s3, $0x1;
	s0 =	sadd.s32 s17, s16  }
0x99: {  	s4 =	simm.s32 $0x0;
	s18 =	sshll.u32 s2, $0x1;
	s2 =	sadd.s32 s19, s0  }
0x9a: {  	[timem:s4], [sflag:s20] =	dma.local [hbm:s2], s18  }
0x9b: {  	_ =	swait.ge [sflag:s20], s18  }
0x9c: {  	s1 =	ssub.s32 $0x0, s18;
	[sflag:s20] =	ssyncset.done $0x0  }
0x9d: {  	[sflag:s20] =	ssyncadd.s32 s1;
	_ =	sdelay $0x1  }
0x9e: {  	s21 =	simm.s32 $0x1B8B  }
0x9f: {  	_ =	swait.ge [sflag:s21], $0x1  }
0xa0: {  	[sflag:s21] =	ssyncset.done $0x0  }
0xa1: {  	s23 =	simm.s32 $0x1B8E;
	s22 =	sld [smem:$0x3FFE];
	[sflag:s21] =	ssyncadd.s32 $0xFFFFFFFF  }
0xa2: {  	s24 =	simm.s32 $execute0_lowered;
	[smem:$0x3FD2] =	sst s23  }
0xa3: {  	s2 =	sshll.u32 s24, $0x1;
	_ =	strace $0x8000004C;
	[dreg:$0x1] =	wrdreg $0xFFFFFFFF  }
0xa4: {  	s25 =	simm.s32 $_size_execute0_lowered;
	s0 =	sadd.s32 s0, s2;
	[dreg:$0x0] =	wrdreg $0x0  }
0xa5: {  	s2 =	sshll.u32 s25, $0x1;
	[dreg:$0x2] =	wrdreg s0  }
0xa6: {  	[dreg:$0x3] =	wrdreg s2  }
0xa7: {  	[dreg:$0x4] =	wrdreg $0xC0  }
0xa8: {  	_ =	task [dreg:s4], $0x5FFFF  }
0xa9: {  	[dreg:$0x1] =	wrdreg $0xFFFFFFFF  }
0xaa: {  	[dreg:$0x0] =	wrdreg $0x60  }
0xab: {  	[dreg:$0x2] =	wrdreg s22  }
0xac: {  	[dreg:$0x3] =	wrdreg $0x9  }
0xad: {  	_ =	task.clear_ibuf [dreg:s4], $0x4FFFF;
	_ =	strace $0x9000004C  }
0xae: {  	s26 =	simm.s32 $0x9;
	_ =	strace $0x8000004E  }
0xaf: {  	_ =	swait.ge [sflag:s26], $0x1  }
0xb0: {  	[sflag:s26] =	ssyncadd.s32 $0xFFFFFFFF  }
0xb1: {  	_ =	strace $0x9000004E  }
0xb2: {  	_ =	sfence  }
0xb3: {  	s28 =	sld [smem:$0x0];
	_ =	sdelay $0x1  }
0xb4: {  	s29 =	srdreg.scid  }
0xb5: {  	s30 =	sshll.u32 s29, $0xD;
	s31 =	sshrl.u32 s29, $0x2  }
0xb6: {  	s1 =	sand.u32 $0x1, s29;
	s2 =	sand.u32 $0x4000, s30;
	s0 =	sadd.s32 s31, s28  }
0xb7: {  	s1 =	sor.u32 s2, s1;
	s0 =	sshll.u32 s0, $0x11  }
0xb8: {  	s0 =	sor.u32 s0, s1  }
0xb9: {  	s0 =	sadd.s32 $0x8F2B, s0  }
0xba: {  	[sflag:s0] =	ssyncadd.remote.s32 $0x1  }
0xbb: {  	_ =	sfence.sel $0xFFFF  }
0xbc: {  	[dreg:$0x0] =	wrdreg $0xFFFFFFFF;
	(pc) =	sbr.abs _section_cstart, $3  }
0xbd: {  	[dreg:$0x1] =	wrdreg $0xFFFFFFFF  }
0xbe: {  	_ =	task.clear_ibuf [dreg:s4], $0x2FFFF;
	_ =	strace $0x9FFFFFFF  }
0xbf: {  	(tm) =	ssettm $0x7FFFFFFF  }
tec
execute0_lowered:
.L_overlay_start_1:
0x0: {  	(tag) =	ssettag $0x1  }
0x1: {  	s0 =	stileid.u32  }
0x2: {  	s1 =	smul.u32 $0x7, s0  }
0x3: {  	s2 =	smin.u32 s0, $0xD  }
0x4: {  	s1 =	sadd.s32 s2, s1  }
0x5: {  	p0 =	slt.u32 s0, $0xD;
	s2 =	simm.s32 $0xC80;
	s1 =	smul.u32 $0x190, s1  }
0x6: {  	s2 =	simm.s32 @!p0 $0xAF0  }
0x7: {  	s2 =	sadd.s32 s2, s1  }
0x8: {  	s3 =	smin.u32 s2, $0xC350  }
0x9: {  	s7 =	ssub.s32 s3, s1  }
0xa: {  	p0 =	sgt.s32 s7, $0x0  }
0xb: {  	s7 =	simm.s32 @!p0 $0x0  }
0xc: {  	s31 =	sand.u32 $0xFFF0, s7  }
0xd: {  	s2 =	sshrl.u32 s31, $0x4  }
0xe: {  	s4 =	smul.u32 $0xA3E, s2  }
0xf: {  	s9 =	rddreg [dreg:$0x0];
	s6 =	simm.s32 $0x1;
	s11 =	simm.s32 $0x3  }
0x10: {  	s13 =	simm.s32 $0x0;
	s12 =	simm.s32 $0x0;
	s8 =	sshrl.u32 s4, $0x10  }
0x11: {  	s2 =	rddreg [dreg:$0x1];
	_ =	strace $0x8000004D;
	s10 =	smul.u32 $0x190, s8  }
.Ltmp0:
0x12: {  	s5 =	sadd.s32 $0x1400, s9;
	[sflag:s6] =	ssyncpa.u1 $0x0;
	(pc) =	sbr.rel .LBB2_1-.Ltmp0, $4  }
0x13: {  	s4 =	sadd.s32 $0xF46C00, s9;
	p0 =	sne.s32 s7, s10;
	s10 =	simm.s32 $0x1  }
0x14: {  	s9 =	sadd.s32 $0x4800, s9;
	s7 =	simm.s32 $0x2;
	s10 =	simm.s32 @!p0 $0x0  }
0x15: {  	[sflag:s7] =	ssyncpa.u1 $0x0;
	p0 =	por $0x0, $0x0;
	s8 =	sadd.s32 s8, s10  }
0x16: {  	vm0 =	vmmov $0xff;
	vm1 =	vcmask $0x3F20;
	[sflag:s11] =	ssyncpa.u1 $0x0;
	s11 =	smov.u32 s1;
	s10 =	sadd.s32 $0x1, s8  }
.LBB2_6:
0x17: {  	[hbm:s17] =	stream.linear.scatter [tilespmem:s14], [sflag:$0x3], $0x400, $0x38;
	[tilespmem:$0x19320] =	vst v63  }
.LBB2_7:
0x18: {  	s13 =	sadd.s32 $0x190, s11  }
0x19: {  	s15 =	smov.u32 s1;
	p2 =	slt.s32 s13, s3  }
0x1a: {  	s15 =	smov.u32 @p2 s13;
	p2 =	sne.s32 s12, s10  }
.Ltmp1:
0x1b: {  	p1 =	slt.u32 s12, $0x2;
	(pc) =	sbr.rel @!p2 .LBB2_8-.Ltmp1, $4  }
0x1c: {  	s14 =	simm.s32 @!p1 $0x3  }
0x1d: {  	s16 =	sadd.s32 $0x1, s12;
	_ =	swait.ge @!p1 [sflag:s14], $0xC800  }
0x1e: {  	p0 =	por !p0, !p0;
	s13 =	smov.u32 s11;
	[sflag:s14] =	ssyncset.done @!p1 $0x0  }
0x1f: {  	s12 =	smov.u32 s16;
	s11 =	smov.u32 s15;
	[sflag:s14] =	ssyncadd.s32 @!p1 $0xFFFF3800  }
.LBB2_1:
0x20: {  	p1 =	sge.u32 s12, s8  }
0x21: {  	s14 =	sxor.u32 @!p1 $0xFFFFFFFF, s12  }
0x22: {  	s14 =	sand.u32 @!p1 $0x1, s14  }
0x23: {  	s14 =	smul.u32 @!p1 $0x640, s14  }
0x24: {  	s31 =	sadd.s32 $0xFFFFFFFF, s12;
	s15 =	sshrl.u32 @!p1 s11, $0x3  }
0x25: {  	s16 =	sand.u32 @!p1 $0x7, s11;
	s15 =	sadd.s32 @!p1 s5, s15;
	s14 =	sshrl.u32 @!p1 s14, $0x2  }
0x26: {  	[tilespmem:s14], [sflag:$0x2] =	stream.linear.gather @!p1 [hbm4b:s15+s16], $0x190, $0x38;
	[tilespmem:$0x19320] =	vst v63  }
0x27: {  	p1 =	sge.u32 s31, s8  }
.Ltmp2:
0x28: {  	_ = 	snop;
	(pc) =	sbr.rel @p1 .LBB2_7-.Ltmp2, $1  }
0x29: {  	_ =	sdelay $0x3  }
0x2a: {  	s14 =	simm.s32 $0x1  }
0x2b: {  	s14 =	simm.s32 @!p0 $0x0  }
0x2c: {  	s15 =	smul.u32 $0x640, s14  }
0x2d: {  	_ =	swait.ge [sflag:s7], $0x190  }
0x2e: {  	[sflag:s7] =	ssyncset.done $0x0;
	s16 =	sshrl.u32 s15, $0x2  }
0x2f: {  	[sflag:s7] =	ssyncadd.s32 $0xFFFFFE70;
	s15 =	sadd.s32 $0x0, s16  }
0x30: {  	v0 =	vld.msk [tilespmem:s15+$0x0 ss:$0x1], $0xffff;
	_ =	sdelay $0x4  }
0x31: {  	vm2 =	vgt.s32 v0, $0x0  }
0x32: {  	v0 =	vnsel vm2, $0x0, v0  }
0x33: {  	v0 =	vmin.u32 v0, $0xF4240  }
0x34: {  	v0 =	vshll.u32 v0, $0x4  }
0x35: {  	s14 =	smul.u32 $0x32000, s14;
	_ =	sdelay $0x1  }
0x36: {  	s14 =	sshrl.u32 s14, $0x2  }
0x37: {  	s14 =	sor.u32 $0x320, s14  }
0x38: {  	[tilespmem:s14], [sflag:$0x1] =	stream.indirect_vreg.gather [hbm:s4], $0x80, v0, vm0, $0x38;
	[tilespmem:$0x19320] =	vst v63  }
0x39: {  	s17 =	sadd.s32 $0x10, s16;
	s15 =	sadd.s32 $0x400, s14  }
0x3a: {  	[tilespmem:s15], [sflag:$0x1] =	stream.indirect_vreg.gather [hbm:s4], $0x80, v0, vm1, $0x38;
	[tilespmem:$0x19320] =	vst v63  }
0x3b: {  	s18 =	simm.s32 $0x80;
	v0 =	vld.msk [tilespmem:s17+$0x0 ss:$0x1], $0xffff;
	s17 =	smov.u32 s14  }
.LBB2_3:
0x3c: {  	p1 =	sne.s32 s18, $0x600;
	_ =	sdelay $0x4  }
0x3d: {  	vm2 =	vgt.s32 v0, $0x0  }
0x3e: {  	v0 =	vnsel vm2, $0x0, v0  }
0x3f: {  	v0 =	vmin.u32 v0, $0xF4240  }
0x40: {  	v0 =	vshll.u32 v0, $0x4;
	_ =	sdelay $0x3  }
.Ltmp3:
0x41: {  	s19 =	sshra.s32 s18, $0x2;
	s17 =	sadd.s32 $0x800, s17;
	(pc) =	sbr.rel @p1 .LBB2_3-.Ltmp3, $4  }
0x42: {  	[tilespmem:s17], [sflag:$0x1] =	stream.indirect_vreg.gather [hbm:s4], $0x80, v0, vm0, $0x38;
	[tilespmem:$0x19320] =	vst v63  }
0x43: {  	s19 =	sadd.s32 s19, s16;
	s20 =	sadd.s32 $0x400, s17  }
0x44: {  	[tilespmem:s20], [sflag:$0x1] =	stream.indirect_vreg.gather [hbm:s4], $0x80, v0, vm1, $0x38;
	[tilespmem:$0x19320] =	vst v63  }
0x45: {  	s18 =	sadd.s32 $0x40, s18;
	v0 =	vld.msk [tilespmem:s19+$0x0 ss:$0x1], $0xffff  }
0x46: {  	_ =	sdelay $0x3  }
0x47: {  	vm2 =	vgt.s32 v0, $0x0  }
0x48: {  	v0 =	vnsel vm2, $0x0, v0  }
0x49: {  	v0 =	vmin.u32 v0, $0xF4240  }
0x4a: {  	v0 =	vshll.u32 v0, $0x4;
	_ =	sdelay $0x3  }
0x4b: {  	s16 =	sadd.s32 $0x800, s17  }
0x4c: {  	[tilespmem:s16], [sflag:$0x1] =	stream.indirect_vreg.gather [hbm:s4], $0x80, v0, vm0, $0x38;
	[tilespmem:$0x19320] =	vst v63  }
0x4d: {  	s16 =	sadd.s32 $0x400, s16  }
0x4e: {  	[tilespmem:s16], [sflag:$0x1] =	stream.indirect_vreg.gather [hbm:s4], $0x80, v0, vm1, $0x38;
	[tilespmem:$0x19320] =	vst v63  }
0x4f: {  	s13 =	sshll.u32 s13, $0x4;
	_ =	swait.ge [sflag:s6], $0xC800  }
0x50: {  	s13 =	sadd.s32 s13, s9;
	[sflag:s6] =	ssyncset.done $0x0  }
0x51: {  	s17 =	sadd.s32 $0x0, s13;
	s16 =	simm.s32 $0x80;
	[sflag:s6] =	ssyncadd.s32 $0xFFFF3800  }
.LBB2_5:
0x52: {  	[hbm:s17] =	stream.linear.scatter [tilespmem:s14], [sflag:$0x3], $0x400, $0x38;
	[tilespmem:$0x19320] =	vst v63  }
0x53: {  	s17 =	smov.u32 s16;
	s14 =	smov.u32 s15;
	p1 =	sne.s32 s16, $0x1880  }
.Ltmp4:
0x54: {  	s16 =	sadd.s32 $0x80, s16;
	(pc) =	sbr.rel @p1 .LBB2_5-.Ltmp4, $2  }
0x55: {  	_ =	sdelay $0x2  }
0x56: {  	s15 =	sadd.s32 $0x400, s15;
	s17 =	sadd.s32 s17, s13  }
.Ltmp5:
0x57: {  	_ = 	snop;
	(pc) =	sbr.rel .LBB2_6-.Ltmp5, $1  }
0x58: {  	_ =	sdelay $0x3  }
.LBB2_8:
0x59: {  	_ =	sfence.sel $0x180000  }
0x5a: {  	s1 =	simm.s32 $0x2;
	[bflag:$0x0] =	sbarrier.arrive $0xFFFF  }
0x5b: {  	s30 =	simm.s32 $0x3;
	[sflag:s1] =	ssyncpa.u1 $0x1  }
0x5c: {  	s31 =	simm.s32 $0x1;
	[sflag:s30] =	ssyncpa.u1 $0x1  }
0x5d: {  	[sflag:s31] =	ssyncpa.u1 $0x1  }
0x5e: {  	p0 =	sne.s32 s0, $0x0;
	_ =	strace $0x9000004D  }
0x5f: {  	s0 =	sadd.s32 @!p0 $0x100000, s2;
	[bflag:$0x2] =	sbarrier.arrive $0xFFFF  }
0x60: {  	[sflag:s0] =	ssyncadd.tile.s32 @!p0 $0x1;
	_ =	shalt  }
.Lfunc_end2:
_tile_overlayer_lowered:
.L_overlay_start_2:
0x61: {  	(tag) =	ssettag $0x2  }
0x62: {  	s0 =	rddreg [dreg:$0x0];
	s2 =	stileid.u32  }
0x63: {  	s1 =	rddreg [dreg:$0x1];
	p0 =	sne.s32 s2, $0x0  }
0x64: {  	s3 =	rddreg [dreg:$0x2];
	[bflag:$0x3] =	sbarrier.arrive $0xFFFF;
	s2 =	simm.s32 @!p0 $0x1C01  }
0x65: {  	[timem:s3], [sflag:s2] =	dma.local @!p0 [hbm:s0], s1  }
0x66: {  	s0 =	simm.s32 @!p0 $0x1  }
0x67: {  	_ =	swait.ge @!p0 [sflag:s0], s1  }
0x68: {  	s1 =	ssub.s32 @!p0 $0x0, s1;
	[sflag:s0] =	ssyncset.done @!p0 $0x0  }
0x69: {  	[sflag:s0] =	ssyncadd.s32 @!p0 s1  }
0x6a: {  	[bflag:$0x3] =	sbarrier.arrive $0xFFFF  }
0x6b: {  	_ =	shalt  }

// kernel: sparse-core-data-format-call.1.cloned.1.call-start
scs
called_computation.1_lowered:
.L_overlay_start_0:
0x0: {  	s1 =	sld [smem:$0x3FD9]  }
0x1: {  	s2 =	sld [smem:$0x3FFE];
	_ =	sdelay $0x1  }
0x2: {  	s3 =	srdreg.scid  }
0x3: {  	s0 =	sand.u32 $0x1, s3  }
0x4: {  	s17 =	sshll.u32 s0, $0xA;
	s1 =	sadd.s32 s2, s1  }
0x5: {  	s1 =	sadd.s32 s1, s17  }
0x6: {  	[smem:$0x3FBD] =	sst s1  }
0x7: {  	_ = 	snop  }
0x8: {  	(tm) =	ssettm $0x1  }
0x9: {  	s18 =	sld [smem:$0x3FFB];
	_ =	sdelay $0x3  }
0xa: {  	_ =	strace s18  }
0xb: {  	s1 =	sld [smem:$0x3FFC];
	_ =	sdelay $0x3  }
0xc: {  	_ =	strace s1  }
0xd: {  	s1 =	sld [smem:$0x3FFD];
	_ =	sdelay $0x3  }
0xe: {  	_ =	strace s1  }
0xf: {  	_ =	strace $0x8FFFFFFF  }
0x10: {  	s19 =	sld [smem:$0x3FDB];
	_ =	sdelay $0x1  }
0x11: {  	s20 =	simm.s32 $_scs_section_size  }
0x12: {  	s4 =	simm.s32 $_size__tile_overlayer_lowered;
	s5 =	simm.s32 $_tile_overlayer_lowered  }
0x13: {  	s23 =	simm.s32 $0x1BFF;
	s22 =	sshll.u32 s5, $0x1;
	s1 =	sadd.s32 s20, s19  }
0x14: {  	s6 =	simm.s32 $0x0;
	s21 =	sshll.u32 s4, $0x1;
	s4 =	sadd.s32 s22, s1  }
0x15: {  	[timem:s6], [sflag:s23] =	dma.local [hbm:s4], s21  }
0x16: {  	_ =	swait.ge [sflag:s23], s21  }
0x17: {  	s2 =	ssub.s32 $0x0, s21;
	[sflag:s23] =	ssyncset.done $0x0  }
0x18: {  	[sflag:s23] =	ssyncadd.s32 s2;
	_ =	sdelay $0x1  }
0x19: {  	s24 =	simm.s32 $0x1B8B  }
0x1a: {  	_ =	swait.ge [sflag:s24], $0x1  }
0x1b: {  	[sflag:s24] =	ssyncset.done $0x0  }
0x1c: {  	s26 =	simm.s32 $0x1B8E;
	s25 =	sld [smem:$0x3FFE];
	[sflag:s24] =	ssyncadd.s32 $0xFFFFFFFF  }
0x1d: {  	s27 =	simm.s32 $execute0_lowered;
	[smem:$0x3FD2] =	sst s26  }
0x1e: {  	s4 =	sshll.u32 s27, $0x1;
	_ =	strace $0x80000046;
	[dreg:$0x1] =	wrdreg $0xFFFFFFFF  }
0x1f: {  	s28 =	simm.s32 $_size_execute0_lowered;
	s1 =	sadd.s32 s1, s4;
	[dreg:$0x0] =	wrdreg $0x0  }
0x20: {  	s4 =	sshll.u32 s28, $0x1;
	[dreg:$0x2] =	wrdreg s1  }
0x21: {  	[dreg:$0x3] =	wrdreg s4  }
0x22: {  	[dreg:$0x4] =	wrdreg $0xC0  }
0x23: {  	_ =	task [dreg:s6], $0x5FFFF  }
0x24: {  	[dreg:$0x1] =	wrdreg $0xFFFFFFFF  }
0x25: {  	[dreg:$0x0] =	wrdreg $0x60  }
0x26: {  	[dreg:$0x2] =	wrdreg s25  }
0x27: {  	[dreg:$0x3] =	wrdreg $0x9  }
0x28: {  	_ =	task.clear_ibuf [dreg:s6], $0x4FFFF;
	_ =	strace $0x90000046  }
0x29: {  	s29 =	simm.s32 $0x9;
	_ =	strace $0x80000048  }
0x2a: {  	_ =	swait.ge [sflag:s29], $0x1  }
0x2b: {  	[sflag:s29] =	ssyncadd.s32 $0xFFFFFFFF  }
0x2c: {  	_ =	strace $0x90000048  }
0x2d: {  	_ =	sfence  }
0x2e: {  	s30 =	sld [smem:$0x0];
	_ =	sdelay $0x2  }
0x2f: {  	s31 =	sshll.u32 s3, $0xD;
	s3 =	sshrl.u32 s3, $0x2  }
0x30: {  	s2 =	sand.u32 $0x4000, s31;
	s1 =	sadd.s32 s3, s30  }
0x31: {  	s0 =	sor.u32 s2, s0;
	s1 =	sshll.u32 s1, $0x11  }
0x32: {  	s0 =	sor.u32 s1, s0  }
0x33: {  	s0 =	sadd.s32 $0x8F2B, s0  }
0x34: {  	[sflag:s0] =	ssyncadd.remote.s32 $0x1  }
0x35: {  	_ =	sfence.sel $0xFFFF  }
0x36: {  	[dreg:$0x0] =	wrdreg $0xFFFFFFFF;
	(pc) =	sbr.abs _section_cstart, $3  }
0x37: {  	[dreg:$0x1] =	wrdreg $0xFFFFFFFF  }
0x38: {  	_ =	task.clear_ibuf [dreg:s6], $0x2FFFF;
	_ =	strace $0x9FFFFFFF  }
0x39: {  	(tm) =	ssettm $0x7FFFFFFF  }
tec
execute0_lowered:
.L_overlay_start_1:
0x0: {  	(tag) =	ssettag $0x1  }
0x1: {  	s4 =	rddreg [dreg:$0x0]  }
0x2: {  	s0 =	rddreg [dreg:$0x1];
	_ =	strace $0x80000047;
	s3 =	srdreg.scid  }
0x3: {  	s1 =	stileid.u32;
	s6 =	simm.s32 $0x2;
	s10 =	simm.s32 $0x0  }
.Ltmp0:
0x4: {  	p0 =	por $0x0, $0x0;
	s11 =	simm.s32 $0x0;
	(pc) =	sbr.rel .LBB1_1-.Ltmp0, $4  }
0x5: {  	s9 =	simm.s32 $0x0;
	s7 =	simm.s32 $0x0;
	s5 =	sshll.u32 s3, $0x4  }
0x6: {  	s2 =	sadd.s32 $0x10D1E00, s4;
	s3 =	simm.s32 $0x1;
	s5 =	sand.u32 $0x10, s5  }
0x7: {  	s4 =	sadd.s32 $0x1400, s4;
	[sflag:s3] =	ssyncpa.u1 $0x0;
	s5 =	sor.u32 s1, s5  }
0x8: {  	[sflag:s6] =	ssyncpa.u1 $0x0;
	s6 =	simm.s32 $0xF800;
	s8 =	smov.u32 s5  }
.LBB1_5:
0x9: {  	s12 =	sadd.s32 $0x20, s8  }
0xa: {  	s10 =	sadd.s32 $0x80, s9;
	s14 =	smov.u32 s9;
	p2 =	sgt.s32 s12, $0x7F  }
0xb: {  	p1 =	slt.u32 s7, $0x2;
	s14 =	smov.u32 @p2 s10  }
0xc: {  	s7 =	sadd.s32 $0x1, s7;
	s12 =	smov.u32 @p2 s5;
	p2 =	sgt.s32 s14, $0x1E84  }
0xd: {  	s14 =	simm.s32 @p2 $0x0;
	p2 =	sne.s32 s7, $0xFA  }
.Ltmp1:
0xe: {  	_ = 	snop;
	(pc) =	sbr.rel @!p2 .LBB1_6-.Ltmp1, $4  }
0xf: {  	s13 =	simm.s32 @!p1 $0x2  }
0x10: {  	s11 =	smov.u32 s9;
	_ =	swait.ge @!p1 [sflag:s13], $0x2000  }
0x11: {  	p0 =	por !p0, !p0;
	s10 =	smov.u32 s8;
	[sflag:s13] =	ssyncset.done @!p1 $0x0  }
0x12: {  	s8 =	smov.u32 s12;
	[sflag:s13] =	ssyncadd.s32 @!p1 $0xFFFFE000;
	s9 =	smov.u32 s14  }
.LBB1_1:
0x13: {  	p1 =	sgt.u32 s7, $0xF7  }
0x14: {  	p2 =	sgt.s32 @!p1 s9, $0x1E05  }
0x15: {  	s12 =	smov.u32 s9;
	s14 =	smov.u32 s8;
	p2 =	por !p2, p1  }
0x16: {  	s13 =	sshra.s32 @!p1 s9, $0x1F;
	s12 =	simm.s32 @p2 $0x1E05;
	p2 =	sgt.s32 @!p1 s8, $0x7F  }
0x17: {  	s15 =	sshra.s32 @!p1 s8, $0x1F;
	s13 =	sand.u32 @!p1 s13, s9;
	p2 =	por !p2, p1  }
0x18: {  	s12 =	ssub.s32 @!p1 s12, s13;
	s13 =	sand.u32 @!p1 s15, s8;
	s14 =	simm.s32 @p2 $0x7F  }
0x19: {  	s15 =	sshll.u32 @!p1 s8, $0x4;
	s12 =	sadd.s32 @!p1 $0xFFFFE1FB, s12;
	s13 =	ssub.s32 @!p1 s14, s13  }
0x1a: {  	p2 =	sgt.s32 @!p1 s12, $0x7F;
	s12 =	sshll.u32 @!p1 s12, $0x6;
	s14 =	sadd.s32 @!p1 $0xFFFFFF81, s13  }
0x1b: {  	s13 =	ssub.s32 @!p1 $0x80, s13;
	s12 =	ssub.s32 @!p1 $0x2000, s12;
	p3 =	sgt.s32 @!p1 s14, $0x0  }
0x1c: {  	p2 =	por !p2, p1;
	s14 =	sxor.u32 @!p1 $0xFFFFFFFF, s7;
	p3 =	por !p3, p1  }
0x1d: {  	s12 =	simm.s32 @!p2 $0x0;
	s14 =	sshll.u32 @!p1 s14, $0xD;
	s13 =	simm.s32 @!p3 $0x0  }
0x1e: {  	s12 =	smul.u32 @!p1 s13, s12;
	s13 =	sand.u32 @!p1 $0x2000, s14;
	s14 =	sshll.u32 @!p1 s9, $0xB  }
0x1f: {  	s16 =	simm.s32 @!p1 $0x4000;
	s15 =	sand.u32 @!p1 $0x7F0, s15;
	s14 =	sadd.s32 @!p1 s2, s14  }
0x20: {  	s12 =	sand.u32 @!p1 $0x3FFFFFC0, s12;
	s14 =	sadd.s32 @!p1 s15, s14;
	s15 =	simm.s32 @!p1 $0x40  }
0x21: {  	[tilespmem:s13], [sflag:$0x1] =	stream.strided.gather @!p1 [hbm4b:s14+s15], s12, s16, s15, $0x38;
	[tilespmem:$0x8080] =	vst v63  }
0x22: {  	p1 =	seq.s32 s7, $0x0  }
0x23: {  	p2 =	seq.s32 @!p1 s7, $0xF9  }
0x24: {  	p1 =	por p1, p2  }
.Ltmp2:
0x25: {  	_ = 	snop;
	(pc) =	sbr.rel @p1 .LBB1_5-.Ltmp2, $1  }
0x26: {  	_ =	sdelay $0x3  }
0x27: {  	p1 =	sgt.s32 s11, $0x1E05;
	s12 =	smov.u32 s11  }
0x28: {  	s13 =	sshra.s32 s11, $0x1F;
	s14 =	smov.u32 s10;
	s15 =	sshra.s32 s10, $0x1F  }
0x29: {  	s12 =	simm.s32 @!p1 $0x1E05;
	s13 =	sand.u32 s13, s11;
	p1 =	sgt.s32 s10, $0x7F  }
0x2a: {  	s27 =	sand.u32 s15, s10;
	s12 =	ssub.s32 s12, s13;
	s14 =	simm.s32 @!p1 $0x7F  }
0x2b: {  	s12 =	sadd.s32 $0xFFFFE1FB, s12;
	s13 =	ssub.s32 s14, s27  }
0x2c: {  	p1 =	sgt.s32 s12, $0x7F;
	s14 =	sadd.s32 $0xFFFFFF81, s13;
	s12 =	sshll.u32 s12, $0x6  }
0x2d: {  	s13 =	ssub.s32 $0x80, s13;
	p2 =	sgt.s32 s14, $0x0;
	s12 =	ssub.s32 $0x2000, s12  }
0x2e: {  	s13 =	simm.s32 @p2 $0x0;
	s12 =	simm.s32 @p1 $0x0  }
0x2f: {  	s12 =	smul.u32 s13, s12;
	_ =	sdelay $0x1  }
0x30: {  	s13 =	simm.s32 $0x1;
	s12 =	sand.u32 $0x3FFFFFC0, s12  }
0x31: {  	s13 =	simm.s32 @!p0 $0x0;
	_ =	swait.ge [sflag:s3], s12  }
0x32: {  	s28 =	sshll.u32 s13, $0xD;
	s12 =	ssub.s32 $0x0, s12;
	[sflag:s3] =	ssyncset.done $0x0  }
0x33: {  	s16 =	sor.u32 $0x20, s28;
	[sflag:s3] =	ssyncadd.s32 s12  }
0x34: {  	s29 =	smul.u32 $0x8100, s13;
	v3 =	vld [tilespmem:s16+$0x10]  }
0x35: {  	s30 =	sand.u32 $0x1, s7;
	v2 =	vld [tilespmem:s16+$0xFFFFFFF0]  }
0x36: {  	s13 =	smul.u32 $0x8100, s30;
	s12 =	sshrl.u32 s29, $0x2;
	v0 =	vld [tilespmem:s16+$0x0]  }
0x37: {  	s14 =	sor.u32 $0x4000, s12;
	v1 =	vld [tilespmem:s16+$0xFFFFFFE0]  }
0x38: {  	s31 =	sshrl.u32 s13, $0x2;
	s13 =	sadd.s32 $0x0, s14  }
0x39: {  	s15 =	simm.s32 $0x4;
	s12 =	sor.u32 $0x4000, s31;
	s16 =	sadd.s32 $0x40, s16;
	[tilespmem:s13+$0x1830 ss:$0x81] =	vst.msk $0xffff, v3  }
.LBB1_3:
0x3a: {  	v3 =	vld [tilespmem:s16+$0x10];
	p1 =	sne.s32 s15, $0x1FC;
	[tilespmem:s13+$0x810 ss:$0x81] =	vst.msk $0xffff, v2;
	s17 =	smov.u32 s15;
	s15 =	sadd.s32 $0x4, s15  }
.Ltmp3:
0x3b: {  	v2 =	vld [tilespmem:s16+$0xFFFFFFF0];
	[tilespmem:s13+$0x1020 ss:$0x81] =	vst.msk $0xffff, v0;
	(pc) =	sbr.rel @p1 .LBB1_3-.Ltmp3, $4  }
0x3c: {  	v0 =	vld [tilespmem:s16+$0x0];
	[tilespmem:s13+$0x0 ss:$0x81] =	vst.msk $0xffff, v1  }
0x3d: {  	s13 =	sshra.s32 s17, $0x2;
	v1 =	vld [tilespmem:s16+$0xFFFFFFE0]  }
0x3e: {  	s13 =	sadd.s32 s13, s14  }
0x3f: {  	s16 =	sadd.s32 $0x40, s16;
	[tilespmem:s13+$0x1830 ss:$0x81] =	vst.msk $0xffff, v3  }
0x40: {  	s14 =	sshll.u32 s11, $0x3  }
0x41: {  	s14 =	sand.u32 $0xFFFFFC00, s14  }
0x42: {  	s15 =	sshrl.u32 s14, $0x8  }
0x43: {  	s15 =	smulhi.u32 $0x8421085, s15  }
0x44: {  	s10 =	smul.u32 $0xF800, s10  }
0x45: {  	s27 =	sand.u32 $0x7F, s11;
	s16 =	smul.u32 $0x1F00, s15;
	s28 =	sand.u32 $0x3F, s15  }
0x46: {  	s11 =	sor.u32 s27, s14;
	s14 =	smul.u32 $0x3E0, s28  }
.Ltmp4:
0x47: {  	s11 =	ssub.s32 s11, s16;
	(pc) =	sbr.rel .LBB1_5-.Ltmp4, $4  }
0x48: {  	[tilespmem:s13+$0x810 ss:$0x81] =	vst.msk $0xffff, v2;
	s10 =	sadd.s32 s4, s10;
	s29 =	sand.u32 $0x7, s11  }
0x49: {  	[tilespmem:s13+$0x1020 ss:$0x81] =	vst.msk $0xffff, v0;
	s10 =	sadd.s32 s14, s10;
	s11 =	sshrl.u32 s11, $0x3;
	s30 =	sshll.u32 s29, $0x12  }
0x4a: {  	[tilespmem:s13+$0x0 ss:$0x81] =	vst.msk $0xffff, v1;
	s10 =	sadd.s32 s11, s10;
	s31 =	sor.u32 $0x400, s30  }
0x4b: {  	[hbm4b:s10+s31] =	stream.strided.scatter [tilespmem:s12], [sflag:$0x2], $0x2000, s6, s31, $0x20;
	[tilespmem:$0x8080] =	vst v63  }
.LBB1_6:
0x4c: {  	_ =	sfence.sel $0x180000  }
0x4d: {  	s2 =	simm.s32 $0x1;
	[bflag:$0x0] =	sbarrier.arrive $0xFFFF  }
0x4e: {  	s31 =	simm.s32 $0x2;
	[sflag:s2] =	ssyncpa.u1 $0x1  }
0x4f: {  	[sflag:s31] =	ssyncpa.u1 $0x1  }
0x50: {  	p0 =	sne.s32 s1, $0x0;
	_ =	strace $0x90000047  }
0x51: {  	s0 =	sadd.s32 @!p0 $0x100000, s0;
	[bflag:$0x2] =	sbarrier.arrive $0xFFFF  }
0x52: {  	[sflag:s0] =	ssyncadd.tile.s32 @!p0 $0x1;
	_ =	shalt  }
.Lfunc_end1:
_tile_overlayer_lowered:
.L_overlay_start_2:
0x53: {  	(tag) =	ssettag $0x2  }
0x54: {  	s0 =	rddreg [dreg:$0x0];
	s2 =	stileid.u32  }
0x55: {  	s1 =	rddreg [dreg:$0x1];
	p0 =	sne.s32 s2, $0x0  }
0x56: {  	s3 =	rddreg [dreg:$0x2];
	[bflag:$0x3] =	sbarrier.arrive $0xFFFF;
	s2 =	simm.s32 @!p0 $0x1C01  }
0x57: {  	[timem:s3], [sflag:s2] =	dma.local @!p0 [hbm:s0], s1  }
0x58: {  	s0 =	simm.s32 @!p0 $0x1  }
0x59: {  	_ =	swait.ge @!p0 [sflag:s0], s1  }
0x5a: {  	s1 =	ssub.s32 @!p0 $0x0, s1;
	[sflag:s0] =	ssyncset.done @!p0 $0x0  }
0x5b: {  	[sflag:s0] =	ssyncadd.s32 @!p0 s1  }
0x5c: {  	[bflag:$0x3] =	sbarrier.arrive $0xFFFF  }
0x5d: {  	_ =	shalt  }

// kernel: sparse-core-data-format-call.cloned.1.call-start
scs
called_computation_lowered:
.L_overlay_start_0:
0x0: {  	s1 =	sld [smem:$0x3FD9]  }
0x1: {  	s2 =	sld [smem:$0x3FFE];
	_ =	sdelay $0x1  }
0x2: {  	s3 =	srdreg.scid  }
0x3: {  	s0 =	sand.u32 $0x1, s3  }
0x4: {  	s17 =	sshll.u32 s0, $0xA;
	s1 =	sadd.s32 s2, s1  }
0x5: {  	s1 =	sadd.s32 s1, s17  }
0x6: {  	[smem:$0x3FBD] =	sst s1  }
0x7: {  	_ = 	snop  }
0x8: {  	(tm) =	ssettm $0x1  }
0x9: {  	s18 =	sld [smem:$0x3FFB];
	_ =	sdelay $0x3  }
0xa: {  	_ =	strace s18  }
0xb: {  	s1 =	sld [smem:$0x3FFC];
	_ =	sdelay $0x3  }
0xc: {  	_ =	strace s1  }
0xd: {  	s1 =	sld [smem:$0x3FFD];
	_ =	sdelay $0x3  }
0xe: {  	_ =	strace s1  }
0xf: {  	_ =	strace $0x8FFFFFFF  }
0x10: {  	s19 =	sld [smem:$0x3FDB];
	_ =	sdelay $0x1  }
0x11: {  	s20 =	simm.s32 $_scs_section_size  }
0x12: {  	s4 =	simm.s32 $_size__tile_overlayer_lowered;
	s5 =	simm.s32 $_tile_overlayer_lowered  }
0x13: {  	s23 =	simm.s32 $0x1BFF;
	s22 =	sshll.u32 s5, $0x1;
	s1 =	sadd.s32 s20, s19  }
0x14: {  	s6 =	simm.s32 $0x0;
	s21 =	sshll.u32 s4, $0x1;
	s4 =	sadd.s32 s22, s1  }
0x15: {  	[timem:s6], [sflag:s23] =	dma.local [hbm:s4], s21  }
0x16: {  	_ =	swait.ge [sflag:s23], s21  }
0x17: {  	s2 =	ssub.s32 $0x0, s21;
	[sflag:s23] =	ssyncset.done $0x0  }
0x18: {  	[sflag:s23] =	ssyncadd.s32 s2;
	_ =	sdelay $0x1  }
0x19: {  	s24 =	simm.s32 $0x1B8B  }
0x1a: {  	_ =	swait.ge [sflag:s24], $0x1  }
0x1b: {  	[sflag:s24] =	ssyncset.done $0x0  }
0x1c: {  	s26 =	simm.s32 $0x1B8E;
	s25 =	sld [smem:$0x3FFE];
	[sflag:s24] =	ssyncadd.s32 $0xFFFFFFFF  }
0x1d: {  	s27 =	simm.s32 $execute0_lowered;
	[smem:$0x3FD2] =	sst s26  }
0x1e: {  	s4 =	sshll.u32 s27, $0x1;
	_ =	strace $0x80000049;
	[dreg:$0x1] =	wrdreg $0xFFFFFFFF  }
0x1f: {  	s28 =	simm.s32 $_size_execute0_lowered;
	s1 =	sadd.s32 s1, s4;
	[dreg:$0x0] =	wrdreg $0x0  }
0x20: {  	s4 =	sshll.u32 s28, $0x1;
	[dreg:$0x2] =	wrdreg s1  }
0x21: {  	[dreg:$0x3] =	wrdreg s4  }
0x22: {  	[dreg:$0x4] =	wrdreg $0xC0  }
0x23: {  	_ =	task [dreg:s6], $0x5FFFF  }
0x24: {  	[dreg:$0x1] =	wrdreg $0xFFFFFFFF  }
0x25: {  	[dreg:$0x0] =	wrdreg $0x60  }
0x26: {  	[dreg:$0x2] =	wrdreg s25  }
0x27: {  	[dreg:$0x3] =	wrdreg $0x9  }
0x28: {  	_ =	task.clear_ibuf [dreg:s6], $0x4FFFF;
	_ =	strace $0x90000049  }
0x29: {  	s29 =	simm.s32 $0x9;
	_ =	strace $0x8000004B  }
0x2a: {  	_ =	swait.ge [sflag:s29], $0x1  }
0x2b: {  	[sflag:s29] =	ssyncadd.s32 $0xFFFFFFFF  }
0x2c: {  	_ =	strace $0x9000004B  }
0x2d: {  	_ =	sfence  }
0x2e: {  	s30 =	sld [smem:$0x0];
	_ =	sdelay $0x2  }
0x2f: {  	s31 =	sshll.u32 s3, $0xD;
	s3 =	sshrl.u32 s3, $0x2  }
0x30: {  	s2 =	sand.u32 $0x4000, s31;
	s1 =	sadd.s32 s3, s30  }
0x31: {  	s0 =	sor.u32 s2, s0;
	s1 =	sshll.u32 s1, $0x11  }
0x32: {  	s0 =	sor.u32 s1, s0  }
0x33: {  	s0 =	sadd.s32 $0x8F2B, s0  }
0x34: {  	[sflag:s0] =	ssyncadd.remote.s32 $0x1  }
0x35: {  	_ =	sfence.sel $0xFFFF  }
0x36: {  	[dreg:$0x0] =	wrdreg $0xFFFFFFFF;
	(pc) =	sbr.abs _section_cstart, $3  }
0x37: {  	[dreg:$0x1] =	wrdreg $0xFFFFFFFF  }
0x38: {  	_ =	task.clear_ibuf [dreg:s6], $0x2FFFF;
	_ =	strace $0x9FFFFFFF  }
0x39: {  	(tm) =	ssettm $0x7FFFFFFF  }
tec
execute0_lowered:
.L_overlay_start_1:
0x0: {  	(tag) =	ssettag $0x1  }
0x1: {  	s1 =	rddreg [dreg:$0x0]  }
0x2: {  	s0 =	rddreg [dreg:$0x1];
	_ =	strace $0x8000004A  }
0x3: {  	s4 =	srdreg.scid;
	s6 =	simm.s32 $0x2;
	s15 =	simm.s32 $0x0  }
0x4: {  	p0 =	por $0x0, $0x0;
	s14 =	simm.s32 $0x0;
	s16 =	simm.s32 $0x0  }
0x5: {  	s7 =	simm.s32 $0x0;
	s9 =	simm.s32 $0x0;
	s10 =	simm.s32 $0x0  }
.Ltmp0:
0x6: {  	s11 =	simm.s32 $0x0;
	s12 =	simm.s32 $0x0;
	(pc) =	sbr.rel .LBB1_1-.Ltmp0, $4  }
0x7: {  	s2 =	sadd.s32 $0x7C1400, s1;
	s3 =	sadd.s32 $0xF81400, s1;
	s4 =	sshll.u32 s4, $0x4  }
0x8: {  	s1 =	stileid.u32;
	s5 =	sand.u32 $0x10, s4;
	s4 =	simm.s32 $0x1  }
0x9: {  	s8 =	simm.s32 $0x0;
	s5 =	sor.u32 s1, s5;
	[sflag:s4] =	ssyncpa.u1 $0x0  }
0xa: {  	[sflag:s6] =	ssyncpa.u1 $0x0;
	s6 =	simm.s32 $0x4000;
	s13 =	smov.u32 s5  }
.LBB1_5:
0xb: {  	p1 =	slt.u32 s8, $0x2;
	s18 =	smov.u32 s16  }
0xc: {  	p2 =	sgt.s32 @!p1 s15, $0x1D85;
	s17 =	sshra.s32 @!p1 s15, $0x1F;
	p3 =	sgt.s32 @!p1 s16, $0x7F  }
0xd: {  	s19 =	sshra.s32 @!p1 s16, $0x1F;
	p2 =	por !p2, p1;
	s17 =	sand.u32 @!p1 s17, s15  }
0xe: {  	p3 =	por !p3, p1;
	s16 =	sand.u32 @!p1 s19, s16;
	s19 =	sshra.s32 @!p1 s14, $0x1F  }
0xf: {  	s18 =	simm.s32 @p3 $0x7F;
	p3 =	sgt.s32 @!p1 s14, $0x40;
	s15 =	simm.s32 @p2 $0x1D85  }
0x10: {  	s16 =	ssub.s32 @!p1 s18, s16;
	p3 =	por !p3, p1;
	s18 =	smov.u32 s14  }
0x11: {  	s14 =	sand.u32 @!p1 s19, s14;
	s15 =	ssub.s32 @!p1 s15, s17;
	s18 =	simm.s32 @p3 $0x40  }
0x12: {  	s17 =	sadd.s32 @!p1 $0xFFFFFF81, s16;
	s16 =	ssub.s32 @!p1 $0x80, s16;
	s14 =	ssub.s32 @!p1 s18, s14  }
0x13: {  	s18 =	sadd.s32 @!p1 $0xFFFFE27B, s15;
	p2 =	sgt.s32 @!p1 s17, $0x0;
	s17 =	sadd.s32 @!p1 $0xFFFFFFC0, s14  }
0x14: {  	s15 =	ssub.s32 @!p1 $0x1E85, s15;
	p2 =	por !p2, p1;
	p3 =	sgt.s32 @!p1 s17, $0x3F  }
0x15: {  	s14 =	ssub.s32 @!p1 $0x80, s14;
	s16 =	simm.s32 @!p2 $0x0;
	p2 =	por !p3, p1  }
0x16: {  	s17 =	sadd.s32 $0x100, s11;
	p3 =	sgt.s32 @!p1 s18, $0xFF;
	s14 =	simm.s32 @!p2 $0x0  }
0x17: {  	s18 =	smov.u32 s12;
	p2 =	por !p3, p1;
	s14 =	smul.u32 @!p1 s16, s14  }
0x18: {  	s15 =	simm.s32 @!p2 $0x0;
	p2 =	sgt.s32 s17, $0x1E84;
	s16 =	sadd.s32 $0x40, s12  }
0x19: {  	s19 =	smov.u32 s13;
	s18 =	smov.u32 @p2 s16  }
0x1a: {  	s14 =	smul.u32 @!p1 s15, s14;
	p3 =	sgt.s32 s18, $0x3F;
	s15 =	sadd.s32 $0x20, s13  }
0x1b: {  	s8 =	sadd.s32 $0x1, s8;
	p0 =	por !p0, !p0;
	s19 =	smov.u32 @p3 s15  }
0x1c: {  	s20 =	simm.s32 @!p1 $0x2;
	s17 =	simm.s32 @p2 $0x0;
	p2 =	sgt.s32 s19, $0x7F  }
0x1d: {  	s16 =	smov.u32 s10;
	s19 =	smov.u32 @p2 s5;
	p2 =	sne.s32 s8, $0x7E  }
.Ltmp1:
0x1e: {  	s10 =	smov.u32 s13;
	s18 =	simm.s32 @p3 $0x0;
	(pc) =	sbr.rel @!p2 .LBB1_6-.Ltmp1, $4  }
0x1f: {  	s15 =	smov.u32 s7;
	s7 =	smov.u32 s11;
	s14 =	sand.u32 @!p1 $0x3FFFFFFF, s14  }
0x20: {  	s11 =	smov.u32 s17;
	_ =	swait.ge @!p1 [sflag:s20], s14;
	s21 =	ssub.s32 @!p1 $0x0, s14  }
0x21: {  	s14 =	smov.u32 s9;
	s9 =	smov.u32 s12;
	[sflag:s20] =	ssyncset.done @!p1 $0x0  }
0x22: {  	s12 =	smov.u32 s18;
	s13 =	smov.u32 s19;
	[sflag:s20] =	ssyncadd.s32 @!p1 s21  }
.LBB1_1:
0x23: {  	p1 =	sgt.u32 s8, $0x7B  }
0x24: {  	s17 =	sshrl.u32 @!p1 s12, $0x3  }
0x25: {  	s18 =	sshll.u32 @!p1 s11, $0x3;
	s17 =	smul.u32 @!p1 $0xF800, s17  }
0x26: {  	s19 =	sshll.u32 @!p1 s12, $0x7;
	s18 =	sand.u32 @!p1 $0xFFFFFC00, s18  }
0x27: {  	s17 =	sadd.s32 @!p1 s17, s18;
	s18 =	sand.u32 @!p1 $0x380, s19  }
0x28: {  	s17 =	sor.u32 @!p1 s18, s17  }
0x29: {  	s18 =	sshrl.u32 @!p1 s17, $0x8  }
0x2a: {  	s18 =	smulhi.u32 @!p1 $0x8421085, s18;
	_ =	sdelay $0x1  }
0x2b: {  	s20 =	sand.u32 @!p1 $0x7F, s11;
	s19 =	sxor.u32 @!p1 $0xFFFFFFFF, s8;
	s21 =	smul.u32 @!p1 $0x1F00, s18  }
0x2c: {  	s17 =	sor.u32 @!p1 s20, s17;
	s20 =	smul.u32 @!p1 $0xF800, s13;
	s18 =	sand.u32 @!p1 $0x3F, s18  }
0x2d: {  	s19 =	sshll.u32 @!p1 s19, $0xE;
	s18 =	smul.u32 @!p1 $0x3E0, s18;
	s17 =	ssub.s32 @!p1 s17, s21  }
0x2e: {  	s19 =	sand.u32 @!p1 $0x4000, s19;
	s20 =	sadd.s32 @!p1 s2, s20;
	s21 =	sand.u32 @!p1 $0x7, s17  }
0x2f: {  	s17 =	sshrl.u32 @!p1 s17, $0x3;
	s18 =	sadd.s32 @!p1 s18, s20;
	s20 =	sshll.u32 @!p1 s21, $0x12  }
0x30: {  	s17 =	sadd.s32 @!p1 s17, s18;
	s18 =	sor.u32 @!p1 $0x800, s20;
	s20 =	simm.s32 @!p1 $0xF800  }
0x31: {  	[tilespmem:s19], [sflag:$0x1] =	stream.strided.gather @!p1 [hbm4b:s17+s18], $0x4000, s20, s18, $0x38;
	[tilespmem:$0x10200] =	vst v63  }
0x32: {  	p1 =	seq.s32 s8, $0x0  }
0x33: {  	p2 =	seq.s32 @!p1 s8, $0x7D  }
0x34: {  	p1 =	por p1, p2  }
.Ltmp2:
0x35: {  	_ = 	snop;
	(pc) =	sbr.rel @p1 .LBB1_5-.Ltmp2, $1  }
0x36: {  	_ =	sdelay $0x3  }
0x37: {  	s20 =	simm.s32 $0x0  }
0x38: {  	s19 =	sand.u32 $0x3800, s20;
	s21 =	sand.u32 $0x380, s20  }
0x39: {  	s17 =	sand.u32 $0x1, s8;
	s19 =	sor.u32 s21, s19  }
0x3a: {  	_ =	swait.ge [sflag:s4], $0x4000;
	s18 =	sshll.u32 s17, $0xE;
	s21 =	sand.u32 $0x3B00, s19  }
0x3b: {  	[sflag:s4] =	ssyncset.done $0x0;
	s20 =	sand.u32 $0x80, s20;
	s21 =	sadd.s32 s21, s18  }
0x3c: {  	[sflag:s4] =	ssyncadd.s32 $0xFFFFC000;
	s23 =	sadd.s32 s20, s21  }
0x3d: {  	v4 =	vld [tilespmem:s23+$0x400]  }
0x3e: {  	s22 =	simm.s32 $0x1;
	v5 =	vld [tilespmem:s23+$0x0]  }
0x3f: {  	s22 =	simm.s32 @!p0 $0x0;
	v6 =	vld [tilespmem:s23+$0x10]  }
0x40: {  	v0 =	vmov s18;
	s31 =	smul.u32 $0x10400, s22;
	v7 =	vld [tilespmem:s23+$0x20]  }
0x41: {  	v9 =	vld [tilespmem:s23+$0x30]  }
0x42: {  	s20 =	sshrl.u32 s31, $0x2;
	v10 =	vld [tilespmem:s23+$0x40]  }
0x43: {  	s20 =	sor.u32 $0x8000, s20;
	v11 =	vld [tilespmem:s23+$0x50]  }
0x44: {  	v8 =	vld [tilespmem:s23+$0x60];
	s21 =	sadd.s32 $0x0, s20  }
0x45: {  	v1 =	vld.idx.msk [tilespmem:v0+s19+$0x410 ss:$0x1], $0xffff;
	[tilespmem:s21+$0x2080 ss:$0x41] =	vst.msk $0xffff, v4  }
0x46: {  	v2 =	vld.idx.msk [tilespmem:v0+s19+$0x420 ss:$0x1], $0xffff;
	[tilespmem:s21+$0x0 ss:$0x41] =	vst.msk $0xffff, v5  }
0x47: {  	v3 =	vld.idx.msk [tilespmem:v0+s19+$0x430 ss:$0x1], $0xffff;
	[tilespmem:s21+$0x410 ss:$0x41] =	vst.msk $0xffff, v6  }
0x48: {  	s17 =	smul.u32 $0x10400, s17;
	[tilespmem:s21+$0x820 ss:$0x41] =	vst.msk $0xffff, v7;
	v7 =	vld [tilespmem:s23+$0x70]  }
0x49: {  	s24 =	simm.s32 $0x100;
	s25 =	simm.s32 $0x8;
	[tilespmem:s21+$0xC30 ss:$0x41] =	vst.msk $0xffff, v9;
	v4 =	vld.idx.msk [tilespmem:v0+s19+$0x440 ss:$0x1], $0xffff  }
0x4a: {  	s26 =	sand.u32 $0x3800, s24;
	s17 =	sshrl.u32 s17, $0x2;
	[tilespmem:s21+$0x1040 ss:$0x41] =	vst.msk $0xffff, v10;
	v5 =	vld.idx.msk [tilespmem:v0+s19+$0x450 ss:$0x1], $0xffff;
	s23 =	simm.s32 $0x80  }
0x4b: {  	s22 =	simm.s32 $0x4;
	s17 =	sor.u32 $0x8000, s17;
	[tilespmem:s21+$0x1450 ss:$0x41] =	vst.msk $0xffff, v11;
	v6 =	vld.idx.msk [tilespmem:v0+s19+$0x460 ss:$0x1], $0xffff;
	s27 =	sand.u32 $0x380, s23  }
.LBB1_3:
0x4c: {  	p1 =	sne.s32 s25, $0xFC;
	[tilespmem:s21+$0x1860 ss:$0x41] =	vst.msk $0xffff, v8;
	v8 =	vld.idx.msk [tilespmem:v0+s19+$0x470 ss:$0x1], $0xffff;
	s19 =	sor.u32 s27, s26  }
0x4d: {  	s26 =	sand.u32 $0x3B00, s19;
	v9 =	vld.idx.msk [tilespmem:v0+s19+$0x410 ss:$0x1], $0xffff;
	[tilespmem:s21+$0x1C70 ss:$0x41] =	vst.msk $0xffff, v7  }
0x4e: {  	s27 =	sand.u32 $0x80, s23;
	s26 =	sadd.s32 s26, s18;
	v7 =	vld.idx.msk [tilespmem:v0+s19+$0x420 ss:$0x1], $0xffff;
	[tilespmem:s21+$0x2490 ss:$0x41] =	vst.msk $0xffff, v1  }
0x4f: {  	s26 =	sadd.s32 s27, s26;
	v10 =	vld.idx.msk [tilespmem:v0+s19+$0x430 ss:$0x1], $0xffff;
	[tilespmem:s21+$0x28A0 ss:$0x41] =	vst.msk $0xffff, v2  }
0x50: {  	v11 =	vld [tilespmem:s26+$0x400];
	[tilespmem:s21+$0x2CB0 ss:$0x41] =	vst.msk $0xffff, v3  }
0x51: {  	v12 =	vld [tilespmem:s26+$0x0];
	[tilespmem:s21+$0x30C0 ss:$0x41] =	vst.msk $0xffff, v4  }
0x52: {  	v4 =	vld [tilespmem:s26+$0x10];
	[tilespmem:s21+$0x34D0 ss:$0x41] =	vst.msk $0xffff, v5  }
0x53: {  	s27 =	sshra.s32 s22, $0x2;
	s22 =	smov.u32 s25;
	v1 =	vmov v9;
	v5 =	vld [tilespmem:s26+$0x20];
	[tilespmem:s21+$0x38E0 ss:$0x41] =	vst.msk $0xffff, v6  }
0x54: {  	v2 =	vmov v7;
	v6 =	vld [tilespmem:s26+$0x30];
	[tilespmem:s21+$0x3CF0 ss:$0x41] =	vst.msk $0xffff, v8;
	s21 =	sadd.s32 s27, s20  }
0x55: {  	v3 =	vmov v10;
	v9 =	vld [tilespmem:s26+$0x40];
	[tilespmem:s21+$0x2080 ss:$0x41] =	vst.msk $0xffff, v11  }
0x56: {  	[tilespmem:s21+$0x0 ss:$0x41] =	vst.msk $0xffff, v12;
	v10 =	vld [tilespmem:s26+$0x50]  }
.Ltmp3:
0x57: {  	[tilespmem:s21+$0x410 ss:$0x41] =	vst.msk $0xffff, v4;
	v8 =	vld [tilespmem:s26+$0x60];
	(pc) =	sbr.rel @p1 .LBB1_3-.Ltmp3, $4  }
0x58: {  	[tilespmem:s21+$0x820 ss:$0x41] =	vst.msk $0xffff, v5;
	v7 =	vld [tilespmem:s26+$0x70]  }
0x59: {  	[tilespmem:s21+$0xC30 ss:$0x41] =	vst.msk $0xffff, v6;
	v4 =	vld.idx.msk [tilespmem:v0+s19+$0x440 ss:$0x1], $0xffff  }
0x5a: {  	s23 =	sadd.s32 $0x80, s23;
	s24 =	sadd.s32 $0x100, s24;
	[tilespmem:s21+$0x1040 ss:$0x41] =	vst.msk $0xffff, v9;
	v5 =	vld.idx.msk [tilespmem:v0+s19+$0x450 ss:$0x1], $0xffff  }
0x5b: {  	s25 =	sadd.s32 $0x4, s25;
	s27 =	sand.u32 $0x380, s23;
	s26 =	sand.u32 $0x3800, s24;
	[tilespmem:s21+$0x1450 ss:$0x41] =	vst.msk $0xffff, v10;
	v6 =	vld.idx.msk [tilespmem:v0+s19+$0x460 ss:$0x1], $0xffff  }
0x5c: {  	_ =	sdelay $0x3  }
0x5d: {  	s24 =	sor.u32 s27, s26;
	[tilespmem:s21+$0x1860 ss:$0x41] =	vst.msk $0xffff, v8;
	v47 =	vld.idx.msk [tilespmem:v0+s19+$0x470 ss:$0x1], $0xffff  }
0x5e: {  	[tilespmem:s21+$0x2490 ss:$0x41] =	vst.msk $0xffff, v1;
	v57 =	vld.idx.msk [tilespmem:v0+s24+$0x410 ss:$0x1], $0xffff  }
0x5f: {  	[tilespmem:s21+$0x28A0 ss:$0x41] =	vst.msk $0xffff, v2;
	v58 =	vld.idx.msk [tilespmem:v0+s24+$0x420 ss:$0x1], $0xffff  }
0x60: {  	[tilespmem:s21+$0x2CB0 ss:$0x41] =	vst.msk $0xffff, v3;
	v59 =	vld.idx.msk [tilespmem:v0+s24+$0x430 ss:$0x1], $0xffff  }
0x61: {  	[tilespmem:s21+$0x1C70 ss:$0x41] =	vst.msk $0xffff, v7;
	v60 =	vld.idx.msk [tilespmem:v0+s24+$0x440 ss:$0x1], $0xffff  }
0x62: {  	s25 =	sand.u32 $0x3B00, s24;
	v61 =	vld.idx.msk [tilespmem:v0+s24+$0x450 ss:$0x1], $0xffff;
	[tilespmem:s21+$0x30C0 ss:$0x41] =	vst.msk $0xffff, v4  }
0x63: {  	s23 =	sand.u32 $0x80, s23;
	s30 =	sshra.s32 s22, $0x2;
	v62 =	vld.idx.msk [tilespmem:v0+s24+$0x460 ss:$0x1], $0xffff;
	s18 =	sadd.s32 s25, s18;
	[tilespmem:s21+$0x34D0 ss:$0x41] =	vst.msk $0xffff, v5  }
0x64: {  	s31 =	sshll.u32 s10, $0x7;
	s22 =	sshll.u32 s9, $0x3;
	v63 =	vld.idx.msk [tilespmem:v0+s24+$0x470 ss:$0x1], $0xffff;
	s29 =	sadd.s32 s23, s18;
	[tilespmem:s21+$0x38E0 ss:$0x41] =	vst.msk $0xffff, v6  }
0x65: {  	p1 =	sgt.s32 s7, $0x1D85;
	s27 =	sshra.s32 s9, $0x1F;
	s18 =	sadd.s32 s30, s20;
	v48 =	vld [tilespmem:s29+$0x400];
	[tilespmem:s21+$0x3CF0 ss:$0x41] =	vst.msk $0xffff, v47  }
0x66: {  	s26 =	sshra.s32 s10, $0x1F;
	s28 =	sand.u32 s27, s9;
	s27 =	sand.u32 $0x7, s9;
	v49 =	vld [tilespmem:s29+$0x0];
	[tilespmem:s18+$0x2490 ss:$0x41] =	vst.msk $0xffff, v57  }
0x67: {  	s23 =	sand.u32 $0x3C00, s31;
	v50 =	vld [tilespmem:s29+$0x10];
	s21 =	sand.u32 $0x3C00, s22;
	s22 =	smov.u32 s7;
	[tilespmem:s18+$0x28A0 ss:$0x41] =	vst.msk $0xffff, v58  }
0x68: {  	s25 =	sshra.s32 s7, $0x1F;
	v51 =	vld [tilespmem:s29+$0x20];
	s21 =	sadd.s32 s23, s21;
	s22 =	simm.s32 @!p1 $0x1D85;
	[tilespmem:s18+$0x2CB0 ss:$0x41] =	vst.msk $0xffff, v59  }
0x69: {  	v52 =	vld [tilespmem:s29+$0x30];
	s23 =	sand.u32 s25, s7;
	p1 =	sgt.s32 s10, $0x7F;
	s25 =	smov.u32 s10;
	[tilespmem:s18+$0x30C0 ss:$0x41] =	vst.msk $0xffff, v60  }
0x6a: {  	s20 =	sand.u32 $0x380, s31;
	v53 =	vld [tilespmem:s29+$0x40];
	[tilespmem:s18+$0x34D0 ss:$0x41] =	vst.msk $0xffff, v61;
	s19 =	ssub.s32 s22, s23;
	s25 =	simm.s32 @!p1 $0x7F  }
0x6b: {  	v54 =	vld [tilespmem:s29+$0x50];
	[tilespmem:s18+$0x38E0 ss:$0x41] =	vst.msk $0xffff, v62;
	s22 =	sand.u32 s26, s10;
	p1 =	sgt.s32 s9, $0x40;
	s23 =	smov.u32 s9  }
0x6c: {  	v55 =	vld [tilespmem:s29+$0x60];
	[tilespmem:s18+$0x3CF0 ss:$0x41] =	vst.msk $0xffff, v63;
	s20 =	sor.u32 s20, s21;
	s22 =	ssub.s32 s25, s22;
	s23 =	simm.s32 @!p1 $0x40  }
0x6d: {  	v56 =	vld [tilespmem:s29+$0x70];
	s26 =	sshrl.u32 s9, $0x3;
	[tilespmem:s18+$0x2080 ss:$0x41] =	vst.msk $0xffff, v48;
	s23 =	ssub.s32 s23, s28;
	s29 =	sadd.s32 $0xFFFFFF81, s22  }
0x6e: {  	[tilespmem:s18+$0x0 ss:$0x41] =	vst.msk $0xffff, v49;
	s22 =	ssub.s32 $0x80, s22;
	p1 =	sgt.s32 s29, $0x0;
	s30 =	sadd.s32 $0xFFFFFFC0, s23  }
0x6f: {  	[tilespmem:s18+$0x410 ss:$0x41] =	vst.msk $0xffff, v50;
	s23 =	ssub.s32 $0x80, s23;
	s22 =	simm.s32 @p1 $0x0;
	p1 =	sgt.s32 s30, $0x3F  }
0x70: {  	s31 =	sadd.s32 $0xFFFFE27B, s19;
	s19 =	ssub.s32 $0x1E85, s19;
	[tilespmem:s18+$0x820 ss:$0x41] =	vst.msk $0xffff, v51;
	s23 =	simm.s32 @p1 $0x0  }
0x71: {  	s20 =	sshrl.u32 s20, $0x3;
	[tilespmem:s18+$0xC30 ss:$0x41] =	vst.msk $0xffff, v52;
	p1 =	sgt.s32 s31, $0xFF;
	s24 =	smul.u32 s22, s23  }
.Ltmp4:
0x72: {  	s25 =	sshll.u32 s7, $0xB;
	[tilespmem:s18+$0x1040 ss:$0x41] =	vst.msk $0xffff, v53;
	s19 =	simm.s32 @p1 $0x0;
	(pc) =	sbr.rel .LBB1_5-.Ltmp4, $4  }
0x73: {  	[tilespmem:s18+$0x1450 ss:$0x41] =	vst.msk $0xffff, v54;
	s21 =	sadd.s32 s3, s25;
	s22 =	sand.u32 $0xF, s26;
	s19 =	smul.u32 s19, s24  }
0x74: {  	[tilespmem:s18+$0x1860 ss:$0x41] =	vst.msk $0xffff, v55;
	s20 =	sand.u32 $0x7F0, s20;
	s28 =	sshll.u32 s27, $0x12;
	s21 =	sadd.s32 s22, s21  }
0x75: {  	[tilespmem:s18+$0x1C70 ss:$0x41] =	vst.msk $0xffff, v56;
	s31 =	sor.u32 $0x40, s28;
	s30 =	sadd.s32 s20, s21;
	s29 =	sand.u32 $0x3FFFFFFF, s19  }
0x76: {  	[hbm4b:s30+s31] =	stream.strided.scatter [tilespmem:s17], [sflag:$0x2], s29, s6, s31, $0x18;
	[tilespmem:$0x10200] =	vst v63  }
.LBB1_6:
0x77: {  	_ =	sfence.sel $0x180000  }
0x78: {  	s2 =	simm.s32 $0x1;
	[bflag:$0x0] =	sbarrier.arrive $0xFFFF  }
0x79: {  	s31 =	simm.s32 $0x2;
	[sflag:s2] =	ssyncpa.u1 $0x1  }
0x7a: {  	[sflag:s31] =	ssyncpa.u1 $0x1  }
0x7b: {  	p0 =	sne.s32 s1, $0x0;
	_ =	strace $0x9000004A  }
0x7c: {  	s0 =	sadd.s32 @!p0 $0x100000, s0;
	[bflag:$0x2] =	sbarrier.arrive $0xFFFF  }
0x7d: {  	[sflag:s0] =	ssyncadd.tile.s32 @!p0 $0x1;
	_ =	shalt  }
.Lfunc_end1:
_tile_overlayer_lowered:
.L_overlay_start_2:
0x7e: {  	(tag) =	ssettag $0x2  }
0x7f: {  	s0 =	rddreg [dreg:$0x0];
	s2 =	stileid.u32  }
0x80: {  	s1 =	rddreg [dreg:$0x1];
	p0 =	sne.s32 s2, $0x0  }
0x81: {  	s3 =	rddreg [dreg:$0x2];
	[bflag:$0x3] =	sbarrier.arrive $0xFFFF;
	s2 =	simm.s32 @!p0 $0x1C01  }
0x82: {  	[timem:s3], [sflag:s2] =	dma.local @!p0 [hbm:s0], s1  }
0x83: {  	s0 =	simm.s32 @!p0 $0x1  }
0x84: {  	_ =	swait.ge @!p0 [sflag:s0], s1  }
0x85: {  	s1 =	ssub.s32 @!p0 $0x0, s1;
	[sflag:s0] =	ssyncset.done @!p0 $0x0  }
0x86: {  	[sflag:s0] =	ssyncadd.s32 @!p0 s1  }
0x87: {  	[bflag:$0x3] =	sbarrier.arrive $0xFFFF  }
0x88: {  	_ =	shalt  }

</sc_bundles>
